<compile_context>
chip_gen: v7x
topology: tpu7x:2x2x1
jax: 0.10.2.dev20260603
libtpu: 0.0.44.dev20260713+nightly
codegen_flags: <defaults>
</compile_context>

<pallas_src>
import jax
import jax.numpy as jnp
from jax import lax
from jax.experimental import pallas as pl
from jax.experimental.pallas import tpu as pltpu
from jax.experimental.pallas import tpu_sc as plsc

_N_EXPERTS = 64
_TOPK = 2
_BLOCK_T = 4096
_L = 16


def _router_tc_kernel(x_ref, w_ref, logits_ref, weights_ref):
    x = x_ref[...]
    w = w_ref[...]
    logits = lax.dot_general(
        x, w, (((1,), (1,)), ((), ())), preferred_element_type=jnp.float32
    )
    m = jnp.max(logits, axis=1, keepdims=True)
    e = jnp.exp(logits - m)
    s = jnp.sum(e, axis=1, keepdims=True)
    logits_ref[...] = logits
    weights_ref[...] = e / s


def _sc_top2(logits, tokens, n_experts):
    info = plsc.get_sparse_core_info()
    nw = info.num_cores * info.num_subcores
    tpw = tokens // nw
    grp = 8
    nvr = n_experts // _L
    mesh = plsc.VectorSubcoreMesh(core_axis_name="c", subcore_axis_name="s")

    ch = 256

    def body(logits_hbm, idx_hbm, lv, iv):
        wid = lax.axis_index("s") * info.num_cores + lax.axis_index("c")
        base = wid * tpw
        lane = lax.broadcasted_iota(jnp.int32, (_L,), 0)
        neg = jnp.float32(-jnp.inf)
        big = jnp.int32(n_experts)

        def group(g, carry):
            acc = jnp.zeros((_L,), jnp.int32)
            for k in range(grp):
                t = g * grp + k
                v = [lv[t, pl.ds(j * _L, _L)] for j in range(nvr)]
                idx = [lane + j * _L for j in range(nvr)]
                vm = v[0]
                for j in range(1, nvr):
                    vm = jnp.maximum(vm, v[j])
                m1 = jnp.max(vm)
                cand = jnp.full((_L,), big, jnp.int32)
                for j in range(nvr):
                    cand = jnp.minimum(cand, jnp.where(v[j] == m1, idx[j], big))
                i1 = jnp.min(cand)
                vr = [jnp.where(idx[j] == i1, neg, v[j]) for j in range(nvr)]
                vm2 = vr[0]
                for j in range(1, nvr):
                    vm2 = jnp.maximum(vm2, vr[j])
                m2 = jnp.max(vm2)
                cand2 = jnp.full((_L,), big, jnp.int32)
                for j in range(nvr):
                    cand2 = jnp.minimum(cand2, jnp.where(vr[j] == m2, idx[j], big))
                i2 = jnp.min(cand2)
                acc = jnp.where(lane == 2 * k, i1, acc)
                acc = jnp.where(lane == 2 * k + 1, i2, acc)
            iv[pl.ds(g * 2 * grp, _L)] = acc
            return carry

        def chunk(c, carry):
            start = base + c * ch
            pltpu.sync_copy(logits_hbm.at[pl.ds(start, ch)], lv)
            lax.fori_loop(0, ch // grp, group, 0)
            pltpu.sync_copy(iv, idx_hbm.at[pl.ds(start * _TOPK, ch * _TOPK)])
            return carry

        lax.fori_loop(0, tpw // ch, chunk, 0)

    run = pl.kernel(
        body,
        out_type=jax.ShapeDtypeStruct((tokens * _TOPK,), jnp.int32),
        mesh=mesh,
        scratch_types=[
            pltpu.VMEM((ch, n_experts), jnp.float32),
            pltpu.VMEM((ch * _TOPK,), jnp.int32),
        ],
        compiler_params=pltpu.CompilerParams(needs_layout_passes=False),
    )
    return run(logits).reshape(tokens, _TOPK)


def kernel(hidden_states, W):
    tokens, hidden = hidden_states.shape
    n_experts = W.shape[0]
    bt = min(_BLOCK_T, tokens)
    grid = (tokens // bt,)
    out_shape = [
        jax.ShapeDtypeStruct((tokens, n_experts), jnp.float32),
        jax.ShapeDtypeStruct((tokens, n_experts), jnp.float32),
    ]
    logits, weights = pl.pallas_call(
        _router_tc_kernel,
        grid=grid,
        in_specs=[
            pl.BlockSpec((bt, hidden), lambda i: (i, 0)),
            pl.BlockSpec((n_experts, hidden), lambda i: (0, 0)),
        ],
        out_specs=[
            pl.BlockSpec((bt, n_experts), lambda i: (i, 0)),
            pl.BlockSpec((bt, n_experts), lambda i: (i, 0)),
        ],
        out_shape=out_shape,
        compiler_params=pltpu.CompilerParams(
            dimension_semantics=("parallel",),
        ),
    )(hidden_states, W)
    indices = _sc_top2(logits, tokens, n_experts)
    return (logits, weights, indices)

# --- scband reference (transcript-rebuilt; emitter-appended) ---
"""Pipeline reference for scband-cputop-krouter-89799176225511 (READ-ONLY COPY).

The authoritative reference and input builder live on the scoring server;
editing this copy changes nothing except your own understanding.
"""

import jax, jax.numpy as jnp
import numpy as np

N_EXPERTS = 64
TOPK = 2
HIDDEN = 768
TOKENS = 32768

def setup_inputs(seed: int = 0) -> dict:
    key = jax.random.key(seed)
    k1, k2 = jax.random.split(key)
    hidden_states = jax.random.normal(k1, (TOKENS, HIDDEN), dtype=jnp.float32)
    # nn.Linear(hidden_size, n_routed_experts, bias=False): weight shape [E, H]
    W = jax.random.normal(k2, (N_EXPERTS, HIDDEN), dtype=jnp.float32) * (1.0 / np.sqrt(HIDDEN))
    return {"hidden_states": hidden_states, "W": W}

def reference(hidden_states, W):
    # router_logits = Linear(hidden_states)
    router_logits = hidden_states @ W.T
    # default branch (apply_act_fn_over_topk=False):
    # torch uses float64 softmax; jax x64 is disabled by default, float32 is numerically equivalent here
    weights = jax.nn.softmax(router_logits, axis=1)
    _, indices = jax.lax.top_k(weights, TOPK)
    weights = weights.astype(hidden_states.dtype)
    return (router_logits, weights, indices)

if __name__ == "__main__":
    import jax
    _d = setup_inputs()
    print(jax.jit(kernel)(*tuple(_d.values())))

</pallas_src>

<mosaic_0001>
#map = affine_map<(d0, d1) -> (0, 0)>
#map1 = affine_map<(d0, d1) -> (0)>
module attributes {stable_mosaic.version = 14 : i64} {
  func.func @body(%arg0: i32, %arg1: i32, %arg2: memref<32768x64xf32, #tpu.memory_space<hbm>>, %arg3: memref<65536xi32, #tpu.memory_space<hbm>>, %arg4: memref<256x64xf32, #tpu.memory_space<vmem>>, %arg5: memref<512xi32, #tpu.memory_space<vmem>>) attributes {dimension_semantics = [#tpu.dimension_semantics<core_parallel>, #tpu.dimension_semantics<subcore_parallel>], iteration_bounds = array<i64: 2, 16>, scalar_prefetch = 0 : i64, scratch_operands = 2 : i64, tpu.core_type = #tpu.core_type<sc_vector_subcore>, window_params = [{transform_indices = #map}, {transform_indices = #map1}]} {
    %mul3A = arith.constant 2 : i32
    %mul3A_0 = arith.muli %arg1, %mul3A : i32
    %add3A = arith.addi %mul3A_0, %arg0 : i32
    %mul3A_1 = arith.constant 1024 : i32
    %mul3A_2 = arith.muli %add3A, %mul3A_1 : i32
    %iota3A = tpu.iota {dimensions = array<i32: 0>} : vector<16xi32>
    %scan3A = arith.constant 0 : i32
    %scan3A_3 = arith.constant 64 : i32
    %scan3A_4 = arith.constant 0xFF800000 : f32
    %scan3A_5 = arith.constant 0 : i32
    %scan3A_6 = arith.constant 4 : i32
    %scan3A_7 = arith.addi %scan3A_5, %scan3A_6 : i32
    %scan3A_8 = arith.constant 1 : i32
    scf.for %scan3A_10 = %scan3A_5 to %scan3A_7 step %scan3A_8  : i32 {
      %mul3A_11 = arith.constant 256 : i32
      %mul3A_12 = arith.muli %scan3A_10, %mul3A_11 : i32
      %add3A_13 = arith.addi %mul3A_2, %mul3A_12 : i32
      "tpu.region"() ({
        %run_scoped3A = tpu.sem_alloc : memref<!tpu.dma_semaphore, #tpu.memory_space<semaphore_mem>>
        %dma_start3A = arith.constant 0 : i32
        %dma_start3A_22 = tpu.memref_slice %arg2[%add3A_13, %dma_start3A] : memref<32768x64xf32, #tpu.memory_space<hbm>> -> memref<256x64xf32, #tpu.memory_space<hbm>>
        %dma_start3A_23 = arith.constant 0 : i32
        %dma_start3A_24 = tpu.memref_slice %arg2[%add3A_13, %dma_start3A_23] : memref<32768x64xf32, #tpu.memory_space<hbm>> -> memref<256x64xf32, #tpu.memory_space<hbm>>
        tpu.enqueue_dma source(%dma_start3A_24 : memref<256x64xf32, #tpu.memory_space<hbm>>) target(%arg4 : memref<256x64xf32, #tpu.memory_space<vmem>>) target_semaphore(%run_scoped3A : memref<!tpu.dma_semaphore, #tpu.memory_space<semaphore_mem>>)
        %dma_wait3A = arith.constant 0 : i32
        %dma_wait3A_25 = tpu.memref_slice %arg2[%add3A_13, %dma_wait3A] : memref<32768x64xf32, #tpu.memory_space<hbm>> -> memref<256x64xf32, #tpu.memory_space<hbm>>
        %dma_wait3A_26 = arith.constant 0 : i32
        %dma_wait3A_27 = tpu.memref_slice %arg2[%add3A_13, %dma_wait3A_26] : memref<32768x64xf32, #tpu.memory_space<hbm>> -> memref<256x64xf32, #tpu.memory_space<hbm>>
        tpu.wait_dma2 semaphore(%run_scoped3A : memref<!tpu.dma_semaphore, #tpu.memory_space<semaphore_mem>>) src(%dma_wait3A_27 : memref<256x64xf32, #tpu.memory_space<hbm>>) dst(%arg4 : memref<256x64xf32, #tpu.memory_space<vmem>>)
        tpu.yield
      }) : () -> ()
      %scan3A_14 = arith.constant 0 : i32
      %scan3A_15 = arith.constant 0 : i32
      %scan3A_16 = arith.constant 32 : i32
      %scan3A_17 = arith.addi %scan3A_15, %scan3A_16 : i32
      %scan3A_18 = arith.constant 1 : i32
      scf.for %scan3A_22 = %scan3A_15 to %scan3A_17 step %scan3A_18  : i32 {
        %broadcast_in_dim3A = arith.constant 0 : i32
        %broadcast_in_dim3A_23 = vector.broadcast %broadcast_in_dim3A : i32 to vector<16xi32>
        %mul3A_24 = arith.constant 8 : i32
        %mul3A_25 = arith.muli %scan3A_22, %mul3A_24 : i32
        %add3A_26 = arith.constant 0 : i32
        %add3A_27 = arith.addi %mul3A_25, %add3A_26 : i32
        %get3A = arith.index_cast %add3A_27 : i32 to index
        %get3A_28 = arith.constant 0 : index
        %get3A_29 = tpu.vector_load %arg4[%get3A, %get3A_28] {strides = array<i32>} : memref<256x64xf32, #tpu.memory_space<vmem>>, vector<16xf32>,
        %get3A_30 = arith.index_cast %add3A_27 : i32 to index
        %get3A_31 = arith.constant 16 : index
        %get3A_32 = tpu.vector_load %arg4[%get3A_30, %get3A_31] {strides = array<i32>} : memref<256x64xf32, #tpu.memory_space<vmem>>, vector<16xf32>,
        %get3A_33 = arith.index_cast %add3A_27 : i32 to index
        %get3A_34 = arith.constant 32 : index
        %get3A_35 = tpu.vector_load %arg4[%get3A_33, %get3A_34] {strides = array<i32>} : memref<256x64xf32, #tpu.memory_space<vmem>>, vector<16xf32>,
        %get3A_36 = arith.index_cast %add3A_27 : i32 to index
        %get3A_37 = arith.constant 48 : index
        %get3A_38 = tpu.vector_load %arg4[%get3A_36, %get3A_37] {strides = array<i32>} : memref<256x64xf32, #tpu.memory_space<vmem>>, vector<16xf32>,
        %add3A_39 = arith.constant 0 : i32
        %add3A_40 = vector.broadcast %add3A_39 : i32 to vector<16xi32>
        %add3A_41 = arith.addi %iota3A, %add3A_40 : vector<16xi32>
        %add3A_42 = arith.constant 16 : i32
        %add3A_43 = vector.broadcast %add3A_42 : i32 to vector<16xi32>
        %add3A_44 = arith.addi %iota3A, %add3A_43 : vector<16xi32>
        %add3A_45 = arith.constant 32 : i32
        %add3A_46 = vector.broadcast %add3A_45 : i32 to vector<16xi32>
        %add3A_47 = arith.addi %iota3A, %add3A_46 : vector<16xi32>
        %add3A_48 = arith.constant 48 : i32
        %add3A_49 = vector.broadcast %add3A_48 : i32 to vector<16xi32>
        %add3A_50 = arith.addi %iota3A, %add3A_49 : vector<16xi32>
        %max3A = arith.maximumf %get3A_29, %get3A_32 : vector<16xf32>
        %max3A_51 = arith.maximumf %max3A, %get3A_35 : vector<16xf32>
        %max3A_52 = arith.maximumf %max3A_51, %get3A_38 : vector<16xf32>
        %reduce_max3A = arith.constant true
        %reduce_max3A_53 = vector.broadcast %reduce_max3A : i1 to vector<16xi1>
        %reduce_max3A_54 = tpu.scan <max>, %max3A_52 masked %reduce_max3A_53 : vector<16xf32>, vector<16xi1> -> vector<16xf32>
        %reduce_max3A_55 = vector.extract %reduce_max3A_54[15] : f32 from vector<16xf32>
        %broadcast_in_dim3A_56 = vector.broadcast %scan3A_3 : i32 to vector<16xi32>
        %eq3A = vector.broadcast %reduce_max3A_55 : f32 to vector<16xf32>
        %eq3A_57 = arith.cmpf oeq, %get3A_29, %eq3A : vector<16xf32>
        %broadcast_in_dim3A_58 = vector.broadcast %scan3A_3 : i32 to vector<16xi32>
        %select_n3A = arith.select %eq3A_57, %add3A_41, %broadcast_in_dim3A_58 : vector<16xi1>, vector<16xi32>
        %min3A = arith.minsi %broadcast_in_dim3A_56, %select_n3A : vector<16xi32>
        %eq3A_59 = vector.broadcast %reduce_max3A_55 : f32 to vector<16xf32>
        %eq3A_60 = arith.cmpf oeq, %get3A_32, %eq3A_59 : vector<16xf32>
        %broadcast_in_dim3A_61 = vector.broadcast %scan3A_3 : i32 to vector<16xi32>
        %select_n3A_62 = arith.select %eq3A_60, %add3A_44, %broadcast_in_dim3A_61 : vector<16xi1>, vector<16xi32>
        %min3A_63 = arith.minsi %min3A, %select_n3A_62 : vector<16xi32>
        %eq3A_64 = vector.broadcast %reduce_max3A_55 : f32 to vector<16xf32>
        %eq3A_65 = arith.cmpf oeq, %get3A_35, %eq3A_64 : vector<16xf32>
        %broadcast_in_dim3A_66 = vector.broadcast %scan3A_3 : i32 to vector<16xi32>
        %select_n3A_67 = arith.select %eq3A_65, %add3A_47, %broadcast_in_dim3A_66 : vector<16xi1>, vector<16xi32>
        %min3A_68 = arith.minsi %min3A_63, %select_n3A_67 : vector<16xi32>
        %eq3A_69 = vector.broadcast %reduce_max3A_55 : f32 to vector<16xf32>
        %eq3A_70 = arith.cmpf oeq, %get3A_38, %eq3A_69 : vector<16xf32>
        %broadcast_in_dim3A_71 = vector.broadcast %scan3A_3 : i32 to vector<16xi32>
        %select_n3A_72 = arith.select %eq3A_70, %add3A_50, %broadcast_in_dim3A_71 : vector<16xi1>, vector<16xi32>
        %min3A_73 = arith.minsi %min3A_68, %select_n3A_72 : vector<16xi32>
        %reduce_min3A = arith.constant true
        %reduce_min3A_74 = vector.broadcast %reduce_min3A : i1 to vector<16xi1>
        %reduce_min3A_75 = arith.constant -2147483648 : i32
        %reduce_min3A_76 = vector.broadcast %reduce_min3A_75 : i32 to vector<16xi32>
        %reduce_min3A_77 = arith.xori %min3A_73, %reduce_min3A_76 : vector<16xi32>
        %reduce_min3A_78 = tpu.scan <min>, %reduce_min3A_77 masked %reduce_min3A_74 : vector<16xi32>, vector<16xi1> -> vector<16xi32>
        %reduce_min3A_79 = arith.xori %reduce_min3A_78, %reduce_min3A_76 : vector<16xi32>
        %reduce_min3A_80 = vector.extract %reduce_min3A_79[15] : i32 from vector<16xi32>
        %eq3A_81 = vector.broadcast %reduce_min3A_80 : i32 to vector<16xi32>
        %eq3A_82 = arith.cmpi eq, %add3A_41, %eq3A_81 : vector<16xi32>
        %broadcast_in_dim3A_83 = vector.broadcast %scan3A_4 : f32 to vector<16xf32>
        %select_n3A_84 = arith.select %eq3A_82, %broadcast_in_dim3A_83, %get3A_29 : vector<16xi1>, vector<16xf32>
        %eq3A_85 = vector.broadcast %reduce_min3A_80 : i32 to vector<16xi32>
        %eq3A_86 = arith.cmpi eq, %add3A_44, %eq3A_85 : vector<16xi32>
        %broadcast_in_dim3A_87 = vector.broadcast %scan3A_4 : f32 to vector<16xf32>
        %select_n3A_88 = arith.select %eq3A_86, %broadcast_in_dim3A_87, %get3A_32 : vector<16xi1>, vector<16xf32>
        %eq3A_89 = vector.broadcast %reduce_min3A_80 : i32 to vector<16xi32>
        %eq3A_90 = arith.cmpi eq, %add3A_47, %eq3A_89 : vector<16xi32>
        %broadcast_in_dim3A_91 = vector.broadcast %scan3A_4 : f32 to vector<16xf32>
        %select_n3A_92 = arith.select %eq3A_90, %broadcast_in_dim3A_91, %get3A_35 : vector<16xi1>, vector<16xf32>
        %eq3A_93 = vector.broadcast %reduce_min3A_80 : i32 to vector<16xi32>
        %eq3A_94 = arith.cmpi eq, %add3A_50, %eq3A_93 : vector<16xi32>
        %broadcast_in_dim3A_95 = vector.broadcast %scan3A_4 : f32 to vector<16xf32>
        %select_n3A_96 = arith.select %eq3A_94, %broadcast_in_dim3A_95, %get3A_38 : vector<16xi1>, vector<16xf32>
        %max3A_97 = arith.maximumf %select_n3A_84, %select_n3A_88 : vector<16xf32>
        %max3A_98 = arith.maximumf %max3A_97, %select_n3A_92 : vector<16xf32>
        %max3A_99 = arith.maximumf %max3A_98, %select_n3A_96 : vector<16xf32>
        %reduce_max3A_100 = arith.constant true
        %reduce_max3A_101 = vector.broadcast %reduce_max3A_100 : i1 to vector<16xi1>
        %reduce_max3A_102 = tpu.scan <max>, %max3A_99 masked %reduce_max3A_101 : vector<16xf32>, vector<16xi1> -> vector<16xf32>
        %reduce_max3A_103 = vector.extract %reduce_max3A_102[15] : f32 from vector<16xf32>
        %broadcast_in_dim3A_104 = vector.broadcast %scan3A_3 : i32 to vector<16xi32>
        %eq3A_105 = vector.broadcast %reduce_max3A_103 : f32 to vector<16xf32>
        %eq3A_106 = arith.cmpf oeq, %select_n3A_84, %eq3A_105 : vector<16xf32>
        %broadcast_in_dim3A_107 = vector.broadcast %scan3A_3 : i32 to vector<16xi32>
        %select_n3A_108 = arith.select %eq3A_106, %add3A_41, %broadcast_in_dim3A_107 : vector<16xi1>, vector<16xi32>
        %min3A_109 = arith.minsi %broadcast_in_dim3A_104, %select_n3A_108 : vector<16xi32>
        %eq3A_110 = vector.broadcast %reduce_max3A_103 : f32 to vector<16xf32>
        %eq3A_111 = arith.cmpf oeq, %select_n3A_88, %eq3A_110 : vector<16xf32>
        %broadcast_in_dim3A_112 = vector.broadcast %scan3A_3 : i32 to vector<16xi32>
        %select_n3A_113 = arith.select %eq3A_111, %add3A_44, %broadcast_in_dim3A_112 : vector<16xi1>, vector<16xi32>
        %min3A_114 = arith.minsi %min3A_109, %select_n3A_113 : vector<16xi32>
        %eq3A_115 = vector.broadcast %reduce_max3A_103 : f32 to vector<16xf32>
        %eq3A_116 = arith.cmpf oeq, %select_n3A_92, %eq3A_115 : vector<16xf32>
        %broadcast_in_dim3A_117 = vector.broadcast %scan3A_3 : i32 to vector<16xi32>
        %select_n3A_118 = arith.select %eq3A_116, %add3A_47, %broadcast_in_dim3A_117 : vector<16xi1>, vector<16xi32>
        %min3A_119 = arith.minsi %min3A_114, %select_n3A_118 : vector<16xi32>
        %eq3A_120 = vector.broadcast %reduce_max3A_103 : f32 to vector<16xf32>
        %eq3A_121 = arith.cmpf oeq, %select_n3A_96, %eq3A_120 : vector<16xf32>
        %broadcast_in_dim3A_122 = vector.broadcast %scan3A_3 : i32 to vector<16xi32>
        %select_n3A_123 = arith.select %eq3A_121, %add3A_50, %broadcast_in_dim3A_122 : vector<16xi1>, vector<16xi32>
        %min3A_124 = arith.minsi %min3A_119, %select_n3A_123 : vector<16xi32>
        %reduce_min3A_125 = arith.constant true
        %reduce_min3A_126 = vector.broadcast %reduce_min3A_125 : i1 to vector<16xi1>
        %reduce_min3A_127 = arith.constant -2147483648 : i32
        %reduce_min3A_128 = vector.broadcast %reduce_min3A_127 : i32 to vector<16xi32>
        %reduce_min3A_129 = arith.xori %min3A_124, %reduce_min3A_128 : vector<16xi32>
        %reduce_min3A_130 = tpu.scan <min>, %reduce_min3A_129 masked %reduce_min3A_126 : vector<16xi32>, vector<16xi1> -> vector<16xi32>
        %reduce_min3A_131 = arith.xori %reduce_min3A_130, %reduce_min3A_128 : vector<16xi32>
        %reduce_min3A_132 = vector.extract %reduce_min3A_131[15] : i32 from vector<16xi32>
        %eq3A_133 = arith.constant 0 : i32
        %eq3A_134 = vector.broadcast %eq3A_133 : i32 to vector<16xi32>
        %eq3A_135 = arith.cmpi eq, %iota3A, %eq3A_134 : vector<16xi32>
        %broadcast_in_dim3A_136 = vector.broadcast %reduce_min3A_80 : i32 to vector<16xi32>
        %select_n3A_137 = arith.select %eq3A_135, %broadcast_in_dim3A_136, %broadcast_in_dim3A_23 : vector<16xi1>, vector<16xi32>
        %eq3A_138 = arith.constant 1 : i32
        %eq3A_139 = vector.broadcast %eq3A_138 : i32 to vector<16xi32>
        %eq3A_140 = arith.cmpi eq, %iota3A, %eq3A_139 : vector<16xi32>
        %broadcast_in_dim3A_141 = vector.broadcast %reduce_min3A_132 : i32 to vector<16xi32>
        %select_n3A_142 = arith.select %eq3A_140, %broadcast_in_dim3A_141, %select_n3A_137 : vector<16xi1>, vector<16xi32>
        %mul3A_143 = arith.constant 8 : i32
        %mul3A_144 = arith.muli %scan3A_22, %mul3A_143 : i32
        %add3A_145 = arith.constant 1 : i32
        %add3A_146 = arith.addi %mul3A_144, %add3A_145 : i32
        %get3A_147 = arith.index_cast %add3A_146 : i32 to index
        %get3A_148 = arith.constant 0 : index
        %get3A_149 = tpu.vector_load %arg4[%get3A_147, %get3A_148] {strides = array<i32>} : memref<256x64xf32, #tpu.memory_space<vmem>>, vector<16xf32>,
        %get3A_150 = arith.index_cast %add3A_146 : i32 to index
        %get3A_151 = arith.constant 16 : index
        %get3A_152 = tpu.vector_load %arg4[%get3A_150, %get3A_151] {strides = array<i32>} : memref<256x64xf32, #tpu.memory_space<vmem>>, vector<16xf32>,
        %get3A_153 = arith.index_cast %add3A_146 : i32 to index
        %get3A_154 = arith.constant 32 : index
        %get3A_155 = tpu.vector_load %arg4[%get3A_153, %get3A_154] {strides = array<i32>} : memref<256x64xf32, #tpu.memory_space<vmem>>, vector<16xf32>,
        %get3A_156 = arith.index_cast %add3A_146 : i32 to index
        %get3A_157 = arith.constant 48 : index
        %get3A_158 = tpu.vector_load %arg4[%get3A_156, %get3A_157] {strides = array<i32>} : memref<256x64xf32, #tpu.memory_space<vmem>>, vector<16xf32>,
        %add3A_159 = arith.constant 0 : i32
        %add3A_160 = vector.broadcast %add3A_159 : i32 to vector<16xi32>
        %add3A_161 = arith.addi %iota3A, %add3A_160 : vector<16xi32>
        %add3A_162 = arith.constant 16 : i32
        %add3A_163 = vector.broadcast %add3A_162 : i32 to vector<16xi32>
        %add3A_164 = arith.addi %iota3A, %add3A_163 : vector<16xi32>
        %add3A_165 = arith.constant 32 : i32
        %add3A_166 = vector.broadcast %add3A_165 : i32 to vector<16xi32>
        %add3A_167 = arith.addi %iota3A, %add3A_166 : vector<16xi32>
        %add3A_168 = arith.constant 48 : i32
        %add3A_169 = vector.broadcast %add3A_168 : i32 to vector<16xi32>
        %add3A_170 = arith.addi %iota3A, %add3A_169 : vector<16xi32>
        %max3A_171 = arith.maximumf %get3A_149, %get3A_152 : vector<16xf32>
        %max3A_172 = arith.maximumf %max3A_171, %get3A_155 : vector<16xf32>
        %max3A_173 = arith.maximumf %max3A_172, %get3A_158 : vector<16xf32>
        %reduce_max3A_174 = arith.constant true
        %reduce_max3A_175 = vector.broadcast %reduce_max3A_174 : i1 to vector<16xi1>
        %reduce_max3A_176 = tpu.scan <max>, %max3A_173 masked %reduce_max3A_175 : vector<16xf32>, vector<16xi1> -> vector<16xf32>
        %reduce_max3A_177 = vector.extract %reduce_max3A_176[15] : f32 from vector<16xf32>
        %broadcast_in_dim3A_178 = vector.broadcast %scan3A_3 : i32 to vector<16xi32>
        %eq3A_179 = vector.broadcast %reduce_max3A_177 : f32 to vector<16xf32>
        %eq3A_180 = arith.cmpf oeq, %get3A_149, %eq3A_179 : vector<16xf32>
        %broadcast_in_dim3A_181 = vector.broadcast %scan3A_3 : i32 to vector<16xi32>
        %select_n3A_182 = arith.select %eq3A_180, %add3A_161, %broadcast_in_dim3A_181 : vector<16xi1>, vector<16xi32>
        %min3A_183 = arith.minsi %broadcast_in_dim3A_178, %select_n3A_182 : vector<16xi32>
        %eq3A_184 = vector.broadcast %reduce_max3A_177 : f32 to vector<16xf32>
        %eq3A_185 = arith.cmpf oeq, %get3A_152, %eq3A_184 : vector<16xf32>
        %broadcast_in_dim3A_186 = vector.broadcast %scan3A_3 : i32 to vector<16xi32>
        %select_n3A_187 = arith.select %eq3A_185, %add3A_164, %broadcast_in_dim3A_186 : vector<16xi1>, vector<16xi32>
        %min3A_188 = arith.minsi %min3A_183, %select_n3A_187 : vector<16xi32>
        %eq3A_189 = vector.broadcast %reduce_max3A_177 : f32 to vector<16xf32>
        %eq3A_190 = arith.cmpf oeq, %get3A_155, %eq3A_189 : vector<16xf32>
        %broadcast_in_dim3A_191 = vector.broadcast %scan3A_3 : i32 to vector<16xi32>
        %select_n3A_192 = arith.select %eq3A_190, %add3A_167, %broadcast_in_dim3A_191 : vector<16xi1>, vector<16xi32>
        %min3A_193 = arith.minsi %min3A_188, %select_n3A_192 : vector<16xi32>
        %eq3A_194 = vector.broadcast %reduce_max3A_177 : f32 to vector<16xf32>
        %eq3A_195 = arith.cmpf oeq, %get3A_158, %eq3A_194 : vector<16xf32>
        %broadcast_in_dim3A_196 = vector.broadcast %scan3A_3 : i32 to vector<16xi32>
        %select_n3A_197 = arith.select %eq3A_195, %add3A_170, %broadcast_in_dim3A_196 : vector<16xi1>, vector<16xi32>
        %min3A_198 = arith.minsi %min3A_193, %select_n3A_197 : vector<16xi32>
        %reduce_min3A_199 = arith.constant true
        %reduce_min3A_200 = vector.broadcast %reduce_min3A_199 : i1 to vector<16xi1>
        %reduce_min3A_201 = arith.constant -2147483648 : i32
        %reduce_min3A_202 = vector.broadcast %reduce_min3A_201 : i32 to vector<16xi32>
        %reduce_min3A_203 = arith.xori %min3A_198, %reduce_min3A_202 : vector<16xi32>
        %reduce_min3A_204 = tpu.scan <min>, %reduce_min3A_203 masked %reduce_min3A_200 : vector<16xi32>, vector<16xi1> -> vector<16xi32>
        %reduce_min3A_205 = arith.xori %reduce_min3A_204, %reduce_min3A_202 : vector<16xi32>
        %reduce_min3A_206 = vector.extract %reduce_min3A_205[15] : i32 from vector<16xi32>
        %eq3A_207 = vector.broadcast %reduce_min3A_206 : i32 to vector<16xi32>
        %eq3A_208 = arith.cmpi eq, %add3A_161, %eq3A_207 : vector<16xi32>
        %broadcast_in_dim3A_209 = vector.broadcast %scan3A_4 : f32 to vector<16xf32>
        %select_n3A_210 = arith.select %eq3A_208, %broadcast_in_dim3A_209, %get3A_149 : vector<16xi1>, vector<16xf32>
        %eq3A_211 = vector.broadcast %reduce_min3A_206 : i32 to vector<16xi32>
        %eq3A_212 = arith.cmpi eq, %add3A_164, %eq3A_211 : vector<16xi32>
        %broadcast_in_dim3A_213 = vector.broadcast %scan3A_4 : f32 to vector<16xf32>
        %select_n3A_214 = arith.select %eq3A_212, %broadcast_in_dim3A_213, %get3A_152 : vector<16xi1>, vector<16xf32>
        %eq3A_215 = vector.broadcast %reduce_min3A_206 : i32 to vector<16xi32>
        %eq3A_216 = arith.cmpi eq, %add3A_167, %eq3A_215 : vector<16xi32>
        %broadcast_in_dim3A_217 = vector.broadcast %scan3A_4 : f32 to vector<16xf32>
        %select_n3A_218 = arith.select %eq3A_216, %broadcast_in_dim3A_217, %get3A_155 : vector<16xi1>, vector<16xf32>
        %eq3A_219 = vector.broadcast %reduce_min3A_206 : i32 to vector<16xi32>
        %eq3A_220 = arith.cmpi eq, %add3A_170, %eq3A_219 : vector<16xi32>
        %broadcast_in_dim3A_221 = vector.broadcast %scan3A_4 : f32 to vector<16xf32>
        %select_n3A_222 = arith.select %eq3A_220, %broadcast_in_dim3A_221, %get3A_158 : vector<16xi1>, vector<16xf32>
        %max3A_223 = arith.maximumf %select_n3A_210, %select_n3A_214 : vector<16xf32>
        %max3A_224 = arith.maximumf %max3A_223, %select_n3A_218 : vector<16xf32>
        %max3A_225 = arith.maximumf %max3A_224, %select_n3A_222 : vector<16xf32>
        %reduce_max3A_226 = arith.constant true
        %reduce_max3A_227 = vector.broadcast %reduce_max3A_226 : i1 to vector<16xi1>
        %reduce_max3A_228 = tpu.scan <max>, %max3A_225 masked %reduce_max3A_227 : vector<16xf32>, vector<16xi1> -> vector<16xf32>
        %reduce_max3A_229 = vector.extract %reduce_max3A_228[15] : f32 from vector<16xf32>
        %broadcast_in_dim3A_230 = vector.broadcast %scan3A_3 : i32 to vector<16xi32>
        %eq3A_231 = vector.broadcast %reduce_max3A_229 : f32 to vector<16xf32>
        %eq3A_232 = arith.cmpf oeq, %select_n3A_210, %eq3A_231 : vector<16xf32>
        %broadcast_in_dim3A_233 = vector.broadcast %scan3A_3 : i32 to vector<16xi32>
        %select_n3A_234 = arith.select %eq3A_232, %add3A_161, %broadcast_in_dim3A_233 : vector<16xi1>, vector<16xi32>
        %min3A_235 = arith.minsi %broadcast_in_dim3A_230, %select_n3A_234 : vector<16xi32>
        %eq3A_236 = vector.broadcast %reduce_max3A_229 : f32 to vector<16xf32>
        %eq3A_237 = arith.cmpf oeq, %select_n3A_214, %eq3A_236 : vector<16xf32>
        %broadcast_in_dim3A_238 = vector.broadcast %scan3A_3 : i32 to vector<16xi32>
        %select_n3A_239 = arith.select %eq3A_237, %add3A_164, %broadcast_in_dim3A_238 : vector<16xi1>, vector<16xi32>
        %min3A_240 = arith.minsi %min3A_235, %select_n3A_239 : vector<16xi32>
        %eq3A_241 = vector.broadcast %reduce_max3A_229 : f32 to vector<16xf32>
        %eq3A_242 = arith.cmpf oeq, %select_n3A_218, %eq3A_241 : vector<16xf32>
        %broadcast_in_dim3A_243 = vector.broadcast %scan3A_3 : i32 to vector<16xi32>
        %select_n3A_244 = arith.select %eq3A_242, %add3A_167, %broadcast_in_dim3A_243 : vector<16xi1>, vector<16xi32>
        %min3A_245 = arith.minsi %min3A_240, %select_n3A_244 : vector<16xi32>
        %eq3A_246 = vector.broadcast %reduce_max3A_229 : f32 to vector<16xf32>
        %eq3A_247 = arith.cmpf oeq, %select_n3A_222, %eq3A_246 : vector<16xf32>
        %broadcast_in_dim3A_248 = vector.broadcast %scan3A_3 : i32 to vector<16xi32>
        %select_n3A_249 = arith.select %eq3A_247, %add3A_170, %broadcast_in_dim3A_248 : vector<16xi1>, vector<16xi32>
        %min3A_250 = arith.minsi %min3A_245, %select_n3A_249 : vector<16xi32>
        %reduce_min3A_251 = arith.constant true
        %reduce_min3A_252 = vector.broadcast %reduce_min3A_251 : i1 to vector<16xi1>
        %reduce_min3A_253 = arith.constant -2147483648 : i32
        %reduce_min3A_254 = vector.broadcast %reduce_min3A_253 : i32 to vector<16xi32>
        %reduce_min3A_255 = arith.xori %min3A_250, %reduce_min3A_254 : vector<16xi32>
        %reduce_min3A_256 = tpu.scan <min>, %reduce_min3A_255 masked %reduce_min3A_252 : vector<16xi32>, vector<16xi1> -> vector<16xi32>
        %reduce_min3A_257 = arith.xori %reduce_min3A_256, %reduce_min3A_254 : vector<16xi32>
        %reduce_min3A_258 = vector.extract %reduce_min3A_257[15] : i32 from vector<16xi32>
        %eq3A_259 = arith.constant 2 : i32
        %eq3A_260 = vector.broadcast %eq3A_259 : i32 to vector<16xi32>
        %eq3A_261 = arith.cmpi eq, %iota3A, %eq3A_260 : vector<16xi32>
        %broadcast_in_dim3A_262 = vector.broadcast %reduce_min3A_206 : i32 to vector<16xi32>
        %select_n3A_263 = arith.select %eq3A_261, %broadcast_in_dim3A_262, %select_n3A_142 : vector<16xi1>, vector<16xi32>
        %eq3A_264 = arith.constant 3 : i32
        %eq3A_265 = vector.broadcast %eq3A_264 : i32 to vector<16xi32>
        %eq3A_266 = arith.cmpi eq, %iota3A, %eq3A_265 : vector<16xi32>
        %broadcast_in_dim3A_267 = vector.broadcast %reduce_min3A_258 : i32 to vector<16xi32>
        %select_n3A_268 = arith.select %eq3A_266, %broadcast_in_dim3A_267, %select_n3A_263 : vector<16xi1>, vector<16xi32>
        %mul3A_269 = arith.constant 8 : i32
        %mul3A_270 = arith.muli %scan3A_22, %mul3A_269 : i32
        %add3A_271 = arith.constant 2 : i32
        %add3A_272 = arith.addi %mul3A_270, %add3A_271 : i32
        %get3A_273 = arith.index_cast %add3A_272 : i32 to index
        %get3A_274 = arith.constant 0 : index
        %get3A_275 = tpu.vector_load %arg4[%get3A_273, %get3A_274] {strides = array<i32>} : memref<256x64xf32, #tpu.memory_space<vmem>>, vector<16xf32>,
        %get3A_276 = arith.index_cast %add3A_272 : i32 to index
        %get3A_277 = arith.constant 16 : index
        %get3A_278 = tpu.vector_load %arg4[%get3A_276, %get3A_277] {strides = array<i32>} : memref<256x64xf32, #tpu.memory_space<vmem>>, vector<16xf32>,
        %get3A_279 = arith.index_cast %add3A_272 : i32 to index
        %get3A_280 = arith.constant 32 : index
        %get3A_281 = tpu.vector_load %arg4[%get3A_279, %get3A_280] {strides = array<i32>} : memref<256x64xf32, #tpu.memory_space<vmem>>, vector<16xf32>,
        %get3A_282 = arith.index_cast %add3A_272 : i32 to index
        %get3A_283 = arith.constant 48 : index
        %get3A_284 = tpu.vector_load %arg4[%get3A_282, %get3A_283] {strides = array<i32>} : memref<256x64xf32, #tpu.memory_space<vmem>>, vector<16xf32>,
        %add3A_285 = arith.constant 0 : i32
        %add3A_286 = vector.broadcast %add3A_285 : i32 to vector<16xi32>
        %add3A_287 = arith.addi %iota3A, %add3A_286 : vector<16xi32>
        %add3A_288 = arith.constant 16 : i32
        %add3A_289 = vector.broadcast %add3A_288 : i32 to vector<16xi32>
        %add3A_290 = arith.addi %iota3A, %add3A_289 : vector<16xi32>
        %add3A_291 = arith.constant 32 : i32
        %add3A_292 = vector.broadcast %add3A_291 : i32 to vector<16xi32>
        %add3A_293 = arith.addi %iota3A, %add3A_292 : vector<16xi32>
        %add3A_294 = arith.constant 48 : i32
        %add3A_295 = vector.broadcast %add3A_294 : i32 to vector<16xi32>
        %add3A_296 = arith.addi %iota3A, %add3A_295 : vector<16xi32>
        %max3A_297 = arith.maximumf %get3A_275, %get3A_278 : vector<16xf32>
        %max3A_298 = arith.maximumf %max3A_297, %get3A_281 : vector<16xf32>
        %max3A_299 = arith.maximumf %max3A_298, %get3A_284 : vector<16xf32>
        %reduce_max3A_300 = arith.constant true
        %reduce_max3A_301 = vector.broadcast %reduce_max3A_300 : i1 to vector<16xi1>
        %reduce_max3A_302 = tpu.scan <max>, %max3A_299 masked %reduce_max3A_301 : vector<16xf32>, vector<16xi1> -> vector<16xf32>
        %reduce_max3A_303 = vector.extract %reduce_max3A_302[15] : f32 from vector<16xf32>
        %broadcast_in_dim3A_304 = vector.broadcast %scan3A_3 : i32 to vector<16xi32>
        %eq3A_305 = vector.broadcast %reduce_max3A_303 : f32 to vector<16xf32>
        %eq3A_306 = arith.cmpf oeq, %get3A_275, %eq3A_305 : vector<16xf32>
        %broadcast_in_dim3A_307 = vector.broadcast %scan3A_3 : i32 to vector<16xi32>
        %select_n3A_308 = arith.select %eq3A_306, %add3A_287, %broadcast_in_dim3A_307 : vector<16xi1>, vector<16xi32>
        %min3A_309 = arith.minsi %broadcast_in_dim3A_304, %select_n3A_308 : vector<16xi32>
        %eq3A_310 = vector.broadcast %reduce_max3A_303 : f32 to vector<16xf32>
        %eq3A_311 = arith.cmpf oeq, %get3A_278, %eq3A_310 : vector<16xf32>
        %broadcast_in_dim3A_312 = vector.broadcast %scan3A_3 : i32 to vector<16xi32>
        %select_n3A_313 = arith.select %eq3A_311, %add3A_290, %broadcast_in_dim3A_312 : vector<16xi1>, vector<16xi32>
        %min3A_314 = arith.minsi %min3A_309, %select_n3A_313 : vector<16xi32>
        %eq3A_315 = vector.broadcast %reduce_max3A_303 : f32 to vector<16xf32>
        %eq3A_316 = arith.cmpf oeq, %get3A_281, %eq3A_315 : vector<16xf32>
        %broadcast_in_dim3A_317 = vector.broadcast %scan3A_3 : i32 to vector<16xi32>
        %select_n3A_318 = arith.select %eq3A_316, %add3A_293, %broadcast_in_dim3A_317 : vector<16xi1>, vector<16xi32>
        %min3A_319 = arith.minsi %min3A_314, %select_n3A_318 : vector<16xi32>
        %eq3A_320 = vector.broadcast %reduce_max3A_303 : f32 to vector<16xf32>
        %eq3A_321 = arith.cmpf oeq, %get3A_284, %eq3A_320 : vector<16xf32>
        %broadcast_in_dim3A_322 = vector.broadcast %scan3A_3 : i32 to vector<16xi32>
        %select_n3A_323 = arith.select %eq3A_321, %add3A_296, %broadcast_in_dim3A_322 : vector<16xi1>, vector<16xi32>
        %min3A_324 = arith.minsi %min3A_319, %select_n3A_323 : vector<16xi32>
        %reduce_min3A_325 = arith.constant true
        %reduce_min3A_326 = vector.broadcast %reduce_min3A_325 : i1 to vector<16xi1>
        %reduce_min3A_327 = arith.constant -2147483648 : i32
        %reduce_min3A_328 = vector.broadcast %reduce_min3A_327 : i32 to vector<16xi32>
        %reduce_min3A_329 = arith.xori %min3A_324, %reduce_min3A_328 : vector<16xi32>
        %reduce_min3A_330 = tpu.scan <min>, %reduce_min3A_329 masked %reduce_min3A_326 : vector<16xi32>, vector<16xi1> -> vector<16xi32>
        %reduce_min3A_331 = arith.xori %reduce_min3A_330, %reduce_min3A_328 : vector<16xi32>
        %reduce_min3A_332 = vector.extract %reduce_min3A_331[15] : i32 from vector<16xi32>
        %eq3A_333 = vector.broadcast %reduce_min3A_332 : i32 to vector<16xi32>
        %eq3A_334 = arith.cmpi eq, %add3A_287, %eq3A_333 : vector<16xi32>
        %broadcast_in_dim3A_335 = vector.broadcast %scan3A_4 : f32 to vector<16xf32>
        %select_n3A_336 = arith.select %eq3A_334, %broadcast_in_dim3A_335, %get3A_275 : vector<16xi1>, vector<16xf32>
        %eq3A_337 = vector.broadcast %reduce_min3A_332 : i32 to vector<16xi32>
        %eq3A_338 = arith.cmpi eq, %add3A_290, %eq3A_337 : vector<16xi32>
        %broadcast_in_dim3A_339 = vector.broadcast %scan3A_4 : f32 to vector<16xf32>
        %select_n3A_340 = arith.select %eq3A_338, %broadcast_in_dim3A_339, %get3A_278 : vector<16xi1>, vector<16xf32>
        %eq3A_341 = vector.broadcast %reduce_min3A_332 : i32 to vector<16xi32>
        %eq3A_342 = arith.cmpi eq, %add3A_293, %eq3A_341 : vector<16xi32>
        %broadcast_in_dim3A_343 = vector.broadcast %scan3A_4 : f32 to vector<16xf32>
        %select_n3A_344 = arith.select %eq3A_342, %broadcast_in_dim3A_343, %get3A_281 : vector<16xi1>, vector<16xf32>
        %eq3A_345 = vector.broadcast %reduce_min3A_332 : i32 to vector<16xi32>
        %eq3A_346 = arith.cmpi eq, %add3A_296, %eq3A_345 : vector<16xi32>
        %broadcast_in_dim3A_347 = vector.broadcast %scan3A_4 : f32 to vector<16xf32>
        %select_n3A_348 = arith.select %eq3A_346, %broadcast_in_dim3A_347, %get3A_284 : vector<16xi1>, vector<16xf32>
        %max3A_349 = arith.maximumf %select_n3A_336, %select_n3A_340 : vector<16xf32>
        %max3A_350 = arith.maximumf %max3A_349, %select_n3A_344 : vector<16xf32>
        %max3A_351 = arith.maximumf %max3A_350, %select_n3A_348 : vector<16xf32>
        %reduce_max3A_352 = arith.constant true
        %reduce_max3A_353 = vector.broadcast %reduce_max3A_352 : i1 to vector<16xi1>
        %reduce_max3A_354 = tpu.scan <max>, %max3A_351 masked %reduce_max3A_353 : vector<16xf32>, vector<16xi1> -> vector<16xf32>
        %reduce_max3A_355 = vector.extract %reduce_max3A_354[15] : f32 from vector<16xf32>
        %broadcast_in_dim3A_356 = vector.broadcast %scan3A_3 : i32 to vector<16xi32>
        %eq3A_357 = vector.broadcast %reduce_max3A_355 : f32 to vector<16xf32>
        %eq3A_358 = arith.cmpf oeq, %select_n3A_336, %eq3A_357 : vector<16xf32>
        %broadcast_in_dim3A_359 = vector.broadcast %scan3A_3 : i32 to vector<16xi32>
        %select_n3A_360 = arith.select %eq3A_358, %add3A_287, %broadcast_in_dim3A_359 : vector<16xi1>, vector<16xi32>
        %min3A_361 = arith.minsi %broadcast_in_dim3A_356, %select_n3A_360 : vector<16xi32>
        %eq3A_362 = vector.broadcast %reduce_max3A_355 : f32 to vector<16xf32>
        %eq3A_363 = arith.cmpf oeq, %select_n3A_340, %eq3A_362 : vector<16xf32>
        %broadcast_in_dim3A_364 = vector.broadcast %scan3A_3 : i32 to vector<16xi32>
        %select_n3A_365 = arith.select %eq3A_363, %add3A_290, %broadcast_in_dim3A_364 : vector<16xi1>, vector<16xi32>
        %min3A_366 = arith.minsi %min3A_361, %select_n3A_365 : vector<16xi32>
        %eq3A_367 = vector.broadcast %reduce_max3A_355 : f32 to vector<16xf32>
        %eq3A_368 = arith.cmpf oeq, %select_n3A_344, %eq3A_367 : vector<16xf32>
        %broadcast_in_dim3A_369 = vector.broadcast %scan3A_3 : i32 to vector<16xi32>
        %select_n3A_370 = arith.select %eq3A_368, %add3A_293, %broadcast_in_dim3A_369 : vector<16xi1>, vector<16xi32>
        %min3A_371 = arith.minsi %min3A_366, %select_n3A_370 : vector<16xi32>
        %eq3A_372 = vector.broadcast %reduce_max3A_355 : f32 to vector<16xf32>
        %eq3A_373 = arith.cmpf oeq, %select_n3A_348, %eq3A_372 : vector<16xf32>
        %broadcast_in_dim3A_374 = vector.broadcast %scan3A_3 : i32 to vector<16xi32>
        %select_n3A_375 = arith.select %eq3A_373, %add3A_296, %broadcast_in_dim3A_374 : vector<16xi1>, vector<16xi32>
        %min3A_376 = arith.minsi %min3A_371, %select_n3A_375 : vector<16xi32>
        %reduce_min3A_377 = arith.constant true
        %reduce_min3A_378 = vector.broadcast %reduce_min3A_377 : i1 to vector<16xi1>
        %reduce_min3A_379 = arith.constant -2147483648 : i32
        %reduce_min3A_380 = vector.broadcast %reduce_min3A_379 : i32 to vector<16xi32>
        %reduce_min3A_381 = arith.xori %min3A_376, %reduce_min3A_380 : vector<16xi32>
        %reduce_min3A_382 = tpu.scan <min>, %reduce_min3A_381 masked %reduce_min3A_378 : vector<16xi32>, vector<16xi1> -> vector<16xi32>
        %reduce_min3A_383 = arith.xori %reduce_min3A_382, %reduce_min3A_380 : vector<16xi32>
        %reduce_min3A_384 = vector.extract %reduce_min3A_383[15] : i32 from vector<16xi32>
        %eq3A_385 = arith.constant 4 : i32
        %eq3A_386 = vector.broadcast %eq3A_385 : i32 to vector<16xi32>
        %eq3A_387 = arith.cmpi eq, %iota3A, %eq3A_386 : vector<16xi32>
        %broadcast_in_dim3A_388 = vector.broadcast %reduce_min3A_332 : i32 to vector<16xi32>
        %select_n3A_389 = arith.select %eq3A_387, %broadcast_in_dim3A_388, %select_n3A_268 : vector<16xi1>, vector<16xi32>
        %eq3A_390 = arith.constant 5 : i32
        %eq3A_391 = vector.broadcast %eq3A_390 : i32 to vector<16xi32>
        %eq3A_392 = arith.cmpi eq, %iota3A, %eq3A_391 : vector<16xi32>
        %broadcast_in_dim3A_393 = vector.broadcast %reduce_min3A_384 : i32 to vector<16xi32>
        %select_n3A_394 = arith.select %eq3A_392, %broadcast_in_dim3A_393, %select_n3A_389 : vector<16xi1>, vector<16xi32>
        %mul3A_395 = arith.constant 8 : i32
        %mul3A_396 = arith.muli %scan3A_22, %mul3A_395 : i32
        %add3A_397 = arith.constant 3 : i32
        %add3A_398 = arith.addi %mul3A_396, %add3A_397 : i32
        %get3A_399 = arith.index_cast %add3A_398 : i32 to index
        %get3A_400 = arith.constant 0 : index
        %get3A_401 = tpu.vector_load %arg4[%get3A_399, %get3A_400] {strides = array<i32>} : memref<256x64xf32, #tpu.memory_space<vmem>>, vector<16xf32>,
        %get3A_402 = arith.index_cast %add3A_398 : i32 to index
        %get3A_403 = arith.constant 16 : index
        %get3A_404 = tpu.vector_load %arg4[%get3A_402, %get3A_403] {strides = array<i32>} : memref<256x64xf32, #tpu.memory_space<vmem>>, vector<16xf32>,
        %get3A_405 = arith.index_cast %add3A_398 : i32 to index
        %get3A_406 = arith.constant 32 : index
        %get3A_407 = tpu.vector_load %arg4[%get3A_405, %get3A_406] {strides = array<i32>} : memref<256x64xf32, #tpu.memory_space<vmem>>, vector<16xf32>,
        %get3A_408 = arith.index_cast %add3A_398 : i32 to index
        %get3A_409 = arith.constant 48 : index
        %get3A_410 = tpu.vector_load %arg4[%get3A_408, %get3A_409] {strides = array<i32>} : memref<256x64xf32, #tpu.memory_space<vmem>>, vector<16xf32>,
        %add3A_411 = arith.constant 0 : i32
        %add3A_412 = vector.broadcast %add3A_411 : i32 to vector<16xi32>
        %add3A_413 = arith.addi %iota3A, %add3A_412 : vector<16xi32>
        %add3A_414 = arith.constant 16 : i32
        %add3A_415 = vector.broadcast %add3A_414 : i32 to vector<16xi32>
        %add3A_416 = arith.addi %iota3A, %add3A_415 : vector<16xi32>
        %add3A_417 = arith.constant 32 : i32
        %add3A_418 = vector.broadcast %add3A_417 : i32 to vector<16xi32>
        %add3A_419 = arith.addi %iota3A, %add3A_418 : vector<16xi32>
        %add3A_420 = arith.constant 48 : i32
        %add3A_421 = vector.broadcast %add3A_420 : i32 to vector<16xi32>
        %add3A_422 = arith.addi %iota3A, %add3A_421 : vector<16xi32>
        %max3A_423 = arith.maximumf %get3A_401, %get3A_404 : vector<16xf32>
        %max3A_424 = arith.maximumf %max3A_423, %get3A_407 : vector<16xf32>
        %max3A_425 = arith.maximumf %max3A_424, %get3A_410 : vector<16xf32>
        %reduce_max3A_426 = arith.constant true
        %reduce_max3A_427 = vector.broadcast %reduce_max3A_426 : i1 to vector<16xi1>
        %reduce_max3A_428 = tpu.scan <max>, %max3A_425 masked %reduce_max3A_427 : vector<16xf32>, vector<16xi1> -> vector<16xf32>
        %reduce_max3A_429 = vector.extract %reduce_max3A_428[15] : f32 from vector<16xf32>
        %broadcast_in_dim3A_430 = vector.broadcast %scan3A_3 : i32 to vector<16xi32>
        %eq3A_431 = vector.broadcast %reduce_max3A_429 : f32 to vector<16xf32>
        %eq3A_432 = arith.cmpf oeq, %get3A_401, %eq3A_431 : vector<16xf32>
        %broadcast_in_dim3A_433 = vector.broadcast %scan3A_3 : i32 to vector<16xi32>
        %select_n3A_434 = arith.select %eq3A_432, %add3A_413, %broadcast_in_dim3A_433 : vector<16xi1>, vector<16xi32>
        %min3A_435 = arith.minsi %broadcast_in_dim3A_430, %select_n3A_434 : vector<16xi32>
        %eq3A_436 = vector.broadcast %reduce_max3A_429 : f32 to vector<16xf32>
        %eq3A_437 = arith.cmpf oeq, %get3A_404, %eq3A_436 : vector<16xf32>
        %broadcast_in_dim3A_438 = vector.broadcast %scan3A_3 : i32 to vector<16xi32>
        %select_n3A_439 = arith.select %eq3A_437, %add3A_416, %broadcast_in_dim3A_438 : vector<16xi1>, vector<16xi32>
        %min3A_440 = arith.minsi %min3A_435, %select_n3A_439 : vector<16xi32>
        %eq3A_441 = vector.broadcast %reduce_max3A_429 : f32 to vector<16xf32>
        %eq3A_442 = arith.cmpf oeq, %get3A_407, %eq3A_441 : vector<16xf32>
        %broadcast_in_dim3A_443 = vector.broadcast %scan3A_3 : i32 to vector<16xi32>
        %select_n3A_444 = arith.select %eq3A_442, %add3A_419, %broadcast_in_dim3A_443 : vector<16xi1>, vector<16xi32>
        %min3A_445 = arith.minsi %min3A_440, %select_n3A_444 : vector<16xi32>
        %eq3A_446 = vector.broadcast %reduce_max3A_429 : f32 to vector<16xf32>
        %eq3A_447 = arith.cmpf oeq, %get3A_410, %eq3A_446 : vector<16xf32>
        %broadcast_in_dim3A_448 = vector.broadcast %scan3A_3 : i32 to vector<16xi32>
        %select_n3A_449 = arith.select %eq3A_447, %add3A_422, %broadcast_in_dim3A_448 : vector<16xi1>, vector<16xi32>
        %min3A_450 = arith.minsi %min3A_445, %select_n3A_449 : vector<16xi32>
        %reduce_min3A_451 = arith.constant true
        %reduce_min3A_452 = vector.broadcast %reduce_min3A_451 : i1 to vector<16xi1>
        %reduce_min3A_453 = arith.constant -2147483648 : i32
        %reduce_min3A_454 = vector.broadcast %reduce_min3A_453 : i32 to vector<16xi32>
        %reduce_min3A_455 = arith.xori %min3A_450, %reduce_min3A_454 : vector<16xi32>
        %reduce_min3A_456 = tpu.scan <min>, %reduce_min3A_455 masked %reduce_min3A_452 : vector<16xi32>, vector<16xi1> -> vector<16xi32>
        %reduce_min3A_457 = arith.xori %reduce_min3A_456, %reduce_min3A_454 : vector<16xi32>
        %reduce_min3A_458 = vector.extract %reduce_min3A_457[15] : i32 from vector<16xi32>
        %eq3A_459 = vector.broadcast %reduce_min3A_458 : i32 to vector<16xi32>
        %eq3A_460 = arith.cmpi eq, %add3A_413, %eq3A_459 : vector<16xi32>
        %broadcast_in_dim3A_461 = vector.broadcast %scan3A_4 : f32 to vector<16xf32>
        %select_n3A_462 = arith.select %eq3A_460, %broadcast_in_dim3A_461, %get3A_401 : vector<16xi1>, vector<16xf32>
        %eq3A_463 = vector.broadcast %reduce_min3A_458 : i32 to vector<16xi32>
        %eq3A_464 = arith.cmpi eq, %add3A_416, %eq3A_463 : vector<16xi32>
        %broadcast_in_dim3A_465 = vector.broadcast %scan3A_4 : f32 to vector<16xf32>
        %select_n3A_466 = arith.select %eq3A_464, %broadcast_in_dim3A_465, %get3A_404 : vector<16xi1>, vector<16xf32>
        %eq3A_467 = vector.broadcast %reduce_min3A_458 : i32 to vector<16xi32>
        %eq3A_468 = arith.cmpi eq, %add3A_419, %eq3A_467 : vector<16xi32>
        %broadcast_in_dim3A_469 = vector.broadcast %scan3A_4 : f32 to vector<16xf32>
        %select_n3A_470 = arith.select %eq3A_468, %broadcast_in_dim3A_469, %get3A_407 : vector<16xi1>, vector<16xf32>
        %eq3A_471 = vector.broadcast %reduce_min3A_458 : i32 to vector<16xi32>
        %eq3A_472 = arith.cmpi eq, %add3A_422, %eq3A_471 : vector<16xi32>
        %broadcast_in_dim3A_473 = vector.broadcast %scan3A_4 : f32 to vector<16xf32>
        %select_n3A_474 = arith.select %eq3A_472, %broadcast_in_dim3A_473, %get3A_410 : vector<16xi1>, vector<16xf32>
        %max3A_475 = arith.maximumf %select_n3A_462, %select_n3A_466 : vector<16xf32>
        %max3A_476 = arith.maximumf %max3A_475, %select_n3A_470 : vector<16xf32>
        %max3A_477 = arith.maximumf %max3A_476, %select_n3A_474 : vector<16xf32>
        %reduce_max3A_478 = arith.constant true
        %reduce_max3A_479 = vector.broadcast %reduce_max3A_478 : i1 to vector<16xi1>
        %reduce_max3A_480 = tpu.scan <max>, %max3A_477 masked %reduce_max3A_479 : vector<16xf32>, vector<16xi1> -> vector<16xf32>
        %reduce_max3A_481 = vector.extract %reduce_max3A_480[15] : f32 from vector<16xf32>
        %broadcast_in_dim3A_482 = vector.broadcast %scan3A_3 : i32 to vector<16xi32>
        %eq3A_483 = vector.broadcast %reduce_max3A_481 : f32 to vector<16xf32>
        %eq3A_484 = arith.cmpf oeq, %select_n3A_462, %eq3A_483 : vector<16xf32>
        %broadcast_in_dim3A_485 = vector.broadcast %scan3A_3 : i32 to vector<16xi32>
        %select_n3A_486 = arith.select %eq3A_484, %add3A_413, %broadcast_in_dim3A_485 : vector<16xi1>, vector<16xi32>
        %min3A_487 = arith.minsi %broadcast_in_dim3A_482, %select_n3A_486 : vector<16xi32>
        %eq3A_488 = vector.broadcast %reduce_max3A_481 : f32 to vector<16xf32>
        %eq3A_489 = arith.cmpf oeq, %select_n3A_466, %eq3A_488 : vector<16xf32>
        %broadcast_in_dim3A_490 = vector.broadcast %scan3A_3 : i32 to vector<16xi32>
        %select_n3A_491 = arith.select %eq3A_489, %add3A_416, %broadcast_in_dim3A_490 : vector<16xi1>, vector<16xi32>
        %min3A_492 = arith.minsi %min3A_487, %select_n3A_491 : vector<16xi32>
        %eq3A_493 = vector.broadcast %reduce_max3A_481 : f32 to vector<16xf32>
        %eq3A_494 = arith.cmpf oeq, %select_n3A_470, %eq3A_493 : vector<16xf32>
        %broadcast_in_dim3A_495 = vector.broadcast %scan3A_3 : i32 to vector<16xi32>
        %select_n3A_496 = arith.select %eq3A_494, %add3A_419, %broadcast_in_dim3A_495 : vector<16xi1>, vector<16xi32>
        %min3A_497 = arith.minsi %min3A_492, %select_n3A_496 : vector<16xi32>
        %eq3A_498 = vector.broadcast %reduce_max3A_481 : f32 to vector<16xf32>
        %eq3A_499 = arith.cmpf oeq, %select_n3A_474, %eq3A_498 : vector<16xf32>
        %broadcast_in_dim3A_500 = vector.broadcast %scan3A_3 : i32 to vector<16xi32>
        %select_n3A_501 = arith.select %eq3A_499, %add3A_422, %broadcast_in_dim3A_500 : vector<16xi1>, vector<16xi32>
        %min3A_502 = arith.minsi %min3A_497, %select_n3A_501 : vector<16xi32>
        %reduce_min3A_503 = arith.constant true
        %reduce_min3A_504 = vector.broadcast %reduce_min3A_503 : i1 to vector<16xi1>
        %reduce_min3A_505 = arith.constant -2147483648 : i32
        %reduce_min3A_506 = vector.broadcast %reduce_min3A_505 : i32 to vector<16xi32>
        %reduce_min3A_507 = arith.xori %min3A_502, %reduce_min3A_506 : vector<16xi32>
        %reduce_min3A_508 = tpu.scan <min>, %reduce_min3A_507 masked %reduce_min3A_504 : vector<16xi32>, vector<16xi1> -> vector<16xi32>
        %reduce_min3A_509 = arith.xori %reduce_min3A_508, %reduce_min3A_506 : vector<16xi32>
        %reduce_min3A_510 = vector.extract %reduce_min3A_509[15] : i32 from vector<16xi32>
        %eq3A_511 = arith.constant 6 : i32
        %eq3A_512 = vector.broadcast %eq3A_511 : i32 to vector<16xi32>
        %eq3A_513 = arith.cmpi eq, %iota3A, %eq3A_512 : vector<16xi32>
        %broadcast_in_dim3A_514 = vector.broadcast %reduce_min3A_458 : i32 to vector<16xi32>
        %select_n3A_515 = arith.select %eq3A_513, %broadcast_in_dim3A_514, %select_n3A_394 : vector<16xi1>, vector<16xi32>
        %eq3A_516 = arith.constant 7 : i32
        %eq3A_517 = vector.broadcast %eq3A_516 : i32 to vector<16xi32>
        %eq3A_518 = arith.cmpi eq, %iota3A, %eq3A_517 : vector<16xi32>
        %broadcast_in_dim3A_519 = vector.broadcast %reduce_min3A_510 : i32 to vector<16xi32>
        %select_n3A_520 = arith.select %eq3A_518, %broadcast_in_dim3A_519, %select_n3A_515 : vector<16xi1>, vector<16xi32>
        %mul3A_521 = arith.constant 8 : i32
        %mul3A_522 = arith.muli %scan3A_22, %mul3A_521 : i32
        %add3A_523 = arith.constant 4 : i32
        %add3A_524 = arith.addi %mul3A_522, %add3A_523 : i32
        %get3A_525 = arith.index_cast %add3A_524 : i32 to index
        %get3A_526 = arith.constant 0 : index
        %get3A_527 = tpu.vector_load %arg4[%get3A_525, %get3A_526] {strides = array<i32>} : memref<256x64xf32, #tpu.memory_space<vmem>>, vector<16xf32>,
        %get3A_528 = arith.index_cast %add3A_524 : i32 to index
        %get3A_529 = arith.constant 16 : index
        %get3A_530 = tpu.vector_load %arg4[%get3A_528, %get3A_529] {strides = array<i32>} : memref<256x64xf32, #tpu.memory_space<vmem>>, vector<16xf32>,
        %get3A_531 = arith.index_cast %add3A_524 : i32 to index
        %get3A_532 = arith.constant 32 : index
        %get3A_533 = tpu.vector_load %arg4[%get3A_531, %get3A_532] {strides = array<i32>} : memref<256x64xf32, #tpu.memory_space<vmem>>, vector<16xf32>,
        %get3A_534 = arith.index_cast %add3A_524 : i32 to index
        %get3A_535 = arith.constant 48 : index
        %get3A_536 = tpu.vector_load %arg4[%get3A_534, %get3A_535] {strides = array<i32>} : memref<256x64xf32, #tpu.memory_space<vmem>>, vector<16xf32>,
        %add3A_537 = arith.constant 0 : i32
        %add3A_538 = vector.broadcast %add3A_537 : i32 to vector<16xi32>
        %add3A_539 = arith.addi %iota3A, %add3A_538 : vector<16xi32>
        %add3A_540 = arith.constant 16 : i32
        %add3A_541 = vector.broadcast %add3A_540 : i32 to vector<16xi32>
        %add3A_542 = arith.addi %iota3A, %add3A_541 : vector<16xi32>
        %add3A_543 = arith.constant 32 : i32
        %add3A_544 = vector.broadcast %add3A_543 : i32 to vector<16xi32>
        %add3A_545 = arith.addi %iota3A, %add3A_544 : vector<16xi32>
        %add3A_546 = arith.constant 48 : i32
        %add3A_547 = vector.broadcast %add3A_546 : i32 to vector<16xi32>
        %add3A_548 = arith.addi %iota3A, %add3A_547 : vector<16xi32>
        %max3A_549 = arith.maximumf %get3A_527, %get3A_530 : vector<16xf32>
        %max3A_550 = arith.maximumf %max3A_549, %get3A_533 : vector<16xf32>
        %max3A_551 = arith.maximumf %max3A_550, %get3A_536 : vector<16xf32>
        %reduce_max3A_552 = arith.constant true
        %reduce_max3A_553 = vector.broadcast %reduce_max3A_552 : i1 to vector<16xi1>
        %reduce_max3A_554 = tpu.scan <max>, %max3A_551 masked %reduce_max3A_553 : vector<16xf32>, vector<16xi1> -> vector<16xf32>
        %reduce_max3A_555 = vector.extract %reduce_max3A_554[15] : f32 from vector<16xf32>
        %broadcast_in_dim3A_556 = vector.broadcast %scan3A_3 : i32 to vector<16xi32>
        %eq3A_557 = vector.broadcast %reduce_max3A_555 : f32 to vector<16xf32>
        %eq3A_558 = arith.cmpf oeq, %get3A_527, %eq3A_557 : vector<16xf32>
        %broadcast_in_dim3A_559 = vector.broadcast %scan3A_3 : i32 to vector<16xi32>
        %select_n3A_560 = arith.select %eq3A_558, %add3A_539, %broadcast_in_dim3A_559 : vector<16xi1>, vector<16xi32>
        %min3A_561 = arith.minsi %broadcast_in_dim3A_556, %select_n3A_560 : vector<16xi32>
        %eq3A_562 = vector.broadcast %reduce_max3A_555 : f32 to vector<16xf32>
        %eq3A_563 = arith.cmpf oeq, %get3A_530, %eq3A_562 : vector<16xf32>
        %broadcast_in_dim3A_564 = vector.broadcast %scan3A_3 : i32 to vector<16xi32>
        %select_n3A_565 = arith.select %eq3A_563, %add3A_542, %broadcast_in_dim3A_564 : vector<16xi1>, vector<16xi32>
        %min3A_566 = arith.minsi %min3A_561, %select_n3A_565 : vector<16xi32>
        %eq3A_567 = vector.broadcast %reduce_max3A_555 : f32 to vector<16xf32>
        %eq3A_568 = arith.cmpf oeq, %get3A_533, %eq3A_567 : vector<16xf32>
        %broadcast_in_dim3A_569 = vector.broadcast %scan3A_3 : i32 to vector<16xi32>
        %select_n3A_570 = arith.select %eq3A_568, %add3A_545, %broadcast_in_dim3A_569 : vector<16xi1>, vector<16xi32>
        %min3A_571 = arith.minsi %min3A_566, %select_n3A_570 : vector<16xi32>
        %eq3A_572 = vector.broadcast %reduce_max3A_555 : f32 to vector<16xf32>
        %eq3A_573 = arith.cmpf oeq, %get3A_536, %eq3A_572 : vector<16xf32>
        %broadcast_in_dim3A_574 = vector.broadcast %scan3A_3 : i32 to vector<16xi32>
        %select_n3A_575 = arith.select %eq3A_573, %add3A_548, %broadcast_in_dim3A_574 : vector<16xi1>, vector<16xi32>
        %min3A_576 = arith.minsi %min3A_571, %select_n3A_575 : vector<16xi32>
        %reduce_min3A_577 = arith.constant true
        %reduce_min3A_578 = vector.broadcast %reduce_min3A_577 : i1 to vector<16xi1>
        %reduce_min3A_579 = arith.constant -2147483648 : i32
        %reduce_min3A_580 = vector.broadcast %reduce_min3A_579 : i32 to vector<16xi32>
        %reduce_min3A_581 = arith.xori %min3A_576, %reduce_min3A_580 : vector<16xi32>
        %reduce_min3A_582 = tpu.scan <min>, %reduce_min3A_581 masked %reduce_min3A_578 : vector<16xi32>, vector<16xi1> -> vector<16xi32>
        %reduce_min3A_583 = arith.xori %reduce_min3A_582, %reduce_min3A_580 : vector<16xi32>
        %reduce_min3A_584 = vector.extract %reduce_min3A_583[15] : i32 from vector<16xi32>
        %eq3A_585 = vector.broadcast %reduce_min3A_584 : i32 to vector<16xi32>
        %eq3A_586 = arith.cmpi eq, %add3A_539, %eq3A_585 : vector<16xi32>
        %broadcast_in_dim3A_587 = vector.broadcast %scan3A_4 : f32 to vector<16xf32>
        %select_n3A_588 = arith.select %eq3A_586, %broadcast_in_dim3A_587, %get3A_527 : vector<16xi1>, vector<16xf32>
        %eq3A_589 = vector.broadcast %reduce_min3A_584 : i32 to vector<16xi32>
        %eq3A_590 = arith.cmpi eq, %add3A_542, %eq3A_589 : vector<16xi32>
        %broadcast_in_dim3A_591 = vector.broadcast %scan3A_4 : f32 to vector<16xf32>
        %select_n3A_592 = arith.select %eq3A_590, %broadcast_in_dim3A_591, %get3A_530 : vector<16xi1>, vector<16xf32>
        %eq3A_593 = vector.broadcast %reduce_min3A_584 : i32 to vector<16xi32>
        %eq3A_594 = arith.cmpi eq, %add3A_545, %eq3A_593 : vector<16xi32>
        %broadcast_in_dim3A_595 = vector.broadcast %scan3A_4 : f32 to vector<16xf32>
        %select_n3A_596 = arith.select %eq3A_594, %broadcast_in_dim3A_595, %get3A_533 : vector<16xi1>, vector<16xf32>
        %eq3A_597 = vector.broadcast %reduce_min3A_584 : i32 to vector<16xi32>
        %eq3A_598 = arith.cmpi eq, %add3A_548, %eq3A_597 : vector<16xi32>
        %broadcast_in_dim3A_599 = vector.broadcast %scan3A_4 : f32 to vector<16xf32>
        %select_n3A_600 = arith.select %eq3A_598, %broadcast_in_dim3A_599, %get3A_536 : vector<16xi1>, vector<16xf32>
        %max3A_601 = arith.maximumf %select_n3A_588, %select_n3A_592 : vector<16xf32>
        %max3A_602 = arith.maximumf %max3A_601, %select_n3A_596 : vector<16xf32>
        %max3A_603 = arith.maximumf %max3A_602, %select_n3A_600 : vector<16xf32>
        %reduce_max3A_604 = arith.constant true
        %reduce_max3A_605 = vector.broadcast %reduce_max3A_604 : i1 to vector<16xi1>
        %reduce_max3A_606 = tpu.scan <max>, %max3A_603 masked %reduce_max3A_605 : vector<16xf32>, vector<16xi1> -> vector<16xf32>
        %reduce_max3A_607 = vector.extract %reduce_max3A_606[15] : f32 from vector<16xf32>
        %broadcast_in_dim3A_608 = vector.broadcast %scan3A_3 : i32 to vector<16xi32>
        %eq3A_609 = vector.broadcast %reduce_max3A_607 : f32 to vector<16xf32>
        %eq3A_610 = arith.cmpf oeq, %select_n3A_588, %eq3A_609 : vector<16xf32>
        %broadcast_in_dim3A_611 = vector.broadcast %scan3A_3 : i32 to vector<16xi32>
        %select_n3A_612 = arith.select %eq3A_610, %add3A_539, %broadcast_in_dim3A_611 : vector<16xi1>, vector<16xi32>
        %min3A_613 = arith.minsi %broadcast_in_dim3A_608, %select_n3A_612 : vector<16xi32>
        %eq3A_614 = vector.broadcast %reduce_max3A_607 : f32 to vector<16xf32>
        %eq3A_615 = arith.cmpf oeq, %select_n3A_592, %eq3A_614 : vector<16xf32>
        %broadcast_in_dim3A_616 = vector.broadcast %scan3A_3 : i32 to vector<16xi32>
        %select_n3A_617 = arith.select %eq3A_615, %add3A_542, %broadcast_in_dim3A_616 : vector<16xi1>, vector<16xi32>
        %min3A_618 = arith.minsi %min3A_613, %select_n3A_617 : vector<16xi32>
        %eq3A_619 = vector.broadcast %reduce_max3A_607 : f32 to vector<16xf32>
        %eq3A_620 = arith.cmpf oeq, %select_n3A_596, %eq3A_619 : vector<16xf32>
        %broadcast_in_dim3A_621 = vector.broadcast %scan3A_3 : i32 to vector<16xi32>
        %select_n3A_622 = arith.select %eq3A_620, %add3A_545, %broadcast_in_dim3A_621 : vector<16xi1>, vector<16xi32>
        %min3A_623 = arith.minsi %min3A_618, %select_n3A_622 : vector<16xi32>
        %eq3A_624 = vector.broadcast %reduce_max3A_607 : f32 to vector<16xf32>
        %eq3A_625 = arith.cmpf oeq, %select_n3A_600, %eq3A_624 : vector<16xf32>
        %broadcast_in_dim3A_626 = vector.broadcast %scan3A_3 : i32 to vector<16xi32>
        %select_n3A_627 = arith.select %eq3A_625, %add3A_548, %broadcast_in_dim3A_626 : vector<16xi1>, vector<16xi32>
        %min3A_628 = arith.minsi %min3A_623, %select_n3A_627 : vector<16xi32>
        %reduce_min3A_629 = arith.constant true
        %reduce_min3A_630 = vector.broadcast %reduce_min3A_629 : i1 to vector<16xi1>
        %reduce_min3A_631 = arith.constant -2147483648 : i32
        %reduce_min3A_632 = vector.broadcast %reduce_min3A_631 : i32 to vector<16xi32>
        %reduce_min3A_633 = arith.xori %min3A_628, %reduce_min3A_632 : vector<16xi32>
        %reduce_min3A_634 = tpu.scan <min>, %reduce_min3A_633 masked %reduce_min3A_630 : vector<16xi32>, vector<16xi1> -> vector<16xi32>
        %reduce_min3A_635 = arith.xori %reduce_min3A_634, %reduce_min3A_632 : vector<16xi32>
        %reduce_min3A_636 = vector.extract %reduce_min3A_635[15] : i32 from vector<16xi32>
        %eq3A_637 = arith.constant 8 : i32
        %eq3A_638 = vector.broadcast %eq3A_637 : i32 to vector<16xi32>
        %eq3A_639 = arith.cmpi eq, %iota3A, %eq3A_638 : vector<16xi32>
        %broadcast_in_dim3A_640 = vector.broadcast %reduce_min3A_584 : i32 to vector<16xi32>
        %select_n3A_641 = arith.select %eq3A_639, %broadcast_in_dim3A_640, %select_n3A_520 : vector<16xi1>, vector<16xi32>
        %eq3A_642 = arith.constant 9 : i32
        %eq3A_643 = vector.broadcast %eq3A_642 : i32 to vector<16xi32>
        %eq3A_644 = arith.cmpi eq, %iota3A, %eq3A_643 : vector<16xi32>
        %broadcast_in_dim3A_645 = vector.broadcast %reduce_min3A_636 : i32 to vector<16xi32>
        %select_n3A_646 = arith.select %eq3A_644, %broadcast_in_dim3A_645, %select_n3A_641 : vector<16xi1>, vector<16xi32>
        %mul3A_647 = arith.constant 8 : i32
        %mul3A_648 = arith.muli %scan3A_22, %mul3A_647 : i32
        %add3A_649 = arith.constant 5 : i32
        %add3A_650 = arith.addi %mul3A_648, %add3A_649 : i32
        %get3A_651 = arith.index_cast %add3A_650 : i32 to index
        %get3A_652 = arith.constant 0 : index
        %get3A_653 = tpu.vector_load %arg4[%get3A_651, %get3A_652] {strides = array<i32>} : memref<256x64xf32, #tpu.memory_space<vmem>>, vector<16xf32>,
        %get3A_654 = arith.index_cast %add3A_650 : i32 to index
        %get3A_655 = arith.constant 16 : index
        %get3A_656 = tpu.vector_load %arg4[%get3A_654, %get3A_655] {strides = array<i32>} : memref<256x64xf32, #tpu.memory_space<vmem>>, vector<16xf32>,
        %get3A_657 = arith.index_cast %add3A_650 : i32 to index
        %get3A_658 = arith.constant 32 : index
        %get3A_659 = tpu.vector_load %arg4[%get3A_657, %get3A_658] {strides = array<i32>} : memref<256x64xf32, #tpu.memory_space<vmem>>, vector<16xf32>,
        %get3A_660 = arith.index_cast %add3A_650 : i32 to index
        %get3A_661 = arith.constant 48 : index
        %get3A_662 = tpu.vector_load %arg4[%get3A_660, %get3A_661] {strides = array<i32>} : memref<256x64xf32, #tpu.memory_space<vmem>>, vector<16xf32>,
        %add3A_663 = arith.constant 0 : i32
        %add3A_664 = vector.broadcast %add3A_663 : i32 to vector<16xi32>
        %add3A_665 = arith.addi %iota3A, %add3A_664 : vector<16xi32>
        %add3A_666 = arith.constant 16 : i32
        %add3A_667 = vector.broadcast %add3A_666 : i32 to vector<16xi32>
        %add3A_668 = arith.addi %iota3A, %add3A_667 : vector<16xi32>
        %add3A_669 = arith.constant 32 : i32
        %add3A_670 = vector.broadcast %add3A_669 : i32 to vector<16xi32>
        %add3A_671 = arith.addi %iota3A, %add3A_670 : vector<16xi32>
        %add3A_672 = arith.constant 48 : i32
        %add3A_673 = vector.broadcast %add3A_672 : i32 to vector<16xi32>
        %add3A_674 = arith.addi %iota3A, %add3A_673 : vector<16xi32>
        %max3A_675 = arith.maximumf %get3A_653, %get3A_656 : vector<16xf32>
        %max3A_676 = arith.maximumf %max3A_675, %get3A_659 : vector<16xf32>
        %max3A_677 = arith.maximumf %max3A_676, %get3A_662 : vector<16xf32>
        %reduce_max3A_678 = arith.constant true
        %reduce_max3A_679 = vector.broadcast %reduce_max3A_678 : i1 to vector<16xi1>
        %reduce_max3A_680 = tpu.scan <max>, %max3A_677 masked %reduce_max3A_679 : vector<16xf32>, vector<16xi1> -> vector<16xf32>
        %reduce_max3A_681 = vector.extract %reduce_max3A_680[15] : f32 from vector<16xf32>
        %broadcast_in_dim3A_682 = vector.broadcast %scan3A_3 : i32 to vector<16xi32>
        %eq3A_683 = vector.broadcast %reduce_max3A_681 : f32 to vector<16xf32>
        %eq3A_684 = arith.cmpf oeq, %get3A_653, %eq3A_683 : vector<16xf32>
        %broadcast_in_dim3A_685 = vector.broadcast %scan3A_3 : i32 to vector<16xi32>
        %select_n3A_686 = arith.select %eq3A_684, %add3A_665, %broadcast_in_dim3A_685 : vector<16xi1>, vector<16xi32>
        %min3A_687 = arith.minsi %broadcast_in_dim3A_682, %select_n3A_686 : vector<16xi32>
        %eq3A_688 = vector.broadcast %reduce_max3A_681 : f32 to vector<16xf32>
        %eq3A_689 = arith.cmpf oeq, %get3A_656, %eq3A_688 : vector<16xf32>
        %broadcast_in_dim3A_690 = vector.broadcast %scan3A_3 : i32 to vector<16xi32>
        %select_n3A_691 = arith.select %eq3A_689, %add3A_668, %broadcast_in_dim3A_690 : vector<16xi1>, vector<16xi32>
        %min3A_692 = arith.minsi %min3A_687, %select_n3A_691 : vector<16xi32>
        %eq3A_693 = vector.broadcast %reduce_max3A_681 : f32 to vector<16xf32>
        %eq3A_694 = arith.cmpf oeq, %get3A_659, %eq3A_693 : vector<16xf32>
        %broadcast_in_dim3A_695 = vector.broadcast %scan3A_3 : i32 to vector<16xi32>
        %select_n3A_696 = arith.select %eq3A_694, %add3A_671, %broadcast_in_dim3A_695 : vector<16xi1>, vector<16xi32>
        %min3A_697 = arith.minsi %min3A_692, %select_n3A_696 : vector<16xi32>
        %eq3A_698 = vector.broadcast %reduce_max3A_681 : f32 to vector<16xf32>
        %eq3A_699 = arith.cmpf oeq, %get3A_662, %eq3A_698 : vector<16xf32>
        %broadcast_in_dim3A_700 = vector.broadcast %scan3A_3 : i32 to vector<16xi32>
        %select_n3A_701 = arith.select %eq3A_699, %add3A_674, %broadcast_in_dim3A_700 : vector<16xi1>, vector<16xi32>
        %min3A_702 = arith.minsi %min3A_697, %select_n3A_701 : vector<16xi32>
        %reduce_min3A_703 = arith.constant true
        %reduce_min3A_704 = vector.broadcast %reduce_min3A_703 : i1 to vector<16xi1>
        %reduce_min3A_705 = arith.constant -2147483648 : i32
        %reduce_min3A_706 = vector.broadcast %reduce_min3A_705 : i32 to vector<16xi32>
        %reduce_min3A_707 = arith.xori %min3A_702, %reduce_min3A_706 : vector<16xi32>
        %reduce_min3A_708 = tpu.scan <min>, %reduce_min3A_707 masked %reduce_min3A_704 : vector<16xi32>, vector<16xi1> -> vector<16xi32>
        %reduce_min3A_709 = arith.xori %reduce_min3A_708, %reduce_min3A_706 : vector<16xi32>
        %reduce_min3A_710 = vector.extract %reduce_min3A_709[15] : i32 from vector<16xi32>
        %eq3A_711 = vector.broadcast %reduce_min3A_710 : i32 to vector<16xi32>
        %eq3A_712 = arith.cmpi eq, %add3A_665, %eq3A_711 : vector<16xi32>
        %broadcast_in_dim3A_713 = vector.broadcast %scan3A_4 : f32 to vector<16xf32>
        %select_n3A_714 = arith.select %eq3A_712, %broadcast_in_dim3A_713, %get3A_653 : vector<16xi1>, vector<16xf32>
        %eq3A_715 = vector.broadcast %reduce_min3A_710 : i32 to vector<16xi32>
        %eq3A_716 = arith.cmpi eq, %add3A_668, %eq3A_715 : vector<16xi32>
        %broadcast_in_dim3A_717 = vector.broadcast %scan3A_4 : f32 to vector<16xf32>
        %select_n3A_718 = arith.select %eq3A_716, %broadcast_in_dim3A_717, %get3A_656 : vector<16xi1>, vector<16xf32>
        %eq3A_719 = vector.broadcast %reduce_min3A_710 : i32 to vector<16xi32>
        %eq3A_720 = arith.cmpi eq, %add3A_671, %eq3A_719 : vector<16xi32>
        %broadcast_in_dim3A_721 = vector.broadcast %scan3A_4 : f32 to vector<16xf32>
        %select_n3A_722 = arith.select %eq3A_720, %broadcast_in_dim3A_721, %get3A_659 : vector<16xi1>, vector<16xf32>
        %eq3A_723 = vector.broadcast %reduce_min3A_710 : i32 to vector<16xi32>
        %eq3A_724 = arith.cmpi eq, %add3A_674, %eq3A_723 : vector<16xi32>
        %broadcast_in_dim3A_725 = vector.broadcast %scan3A_4 : f32 to vector<16xf32>
        %select_n3A_726 = arith.select %eq3A_724, %broadcast_in_dim3A_725, %get3A_662 : vector<16xi1>, vector<16xf32>
        %max3A_727 = arith.maximumf %select_n3A_714, %select_n3A_718 : vector<16xf32>
        %max3A_728 = arith.maximumf %max3A_727, %select_n3A_722 : vector<16xf32>
        %max3A_729 = arith.maximumf %max3A_728, %select_n3A_726 : vector<16xf32>
        %reduce_max3A_730 = arith.constant true
        %reduce_max3A_731 = vector.broadcast %reduce_max3A_730 : i1 to vector<16xi1>
        %reduce_max3A_732 = tpu.scan <max>, %max3A_729 masked %reduce_max3A_731 : vector<16xf32>, vector<16xi1> -> vector<16xf32>
        %reduce_max3A_733 = vector.extract %reduce_max3A_732[15] : f32 from vector<16xf32>
        %broadcast_in_dim3A_734 = vector.broadcast %scan3A_3 : i32 to vector<16xi32>
        %eq3A_735 = vector.broadcast %reduce_max3A_733 : f32 to vector<16xf32>
        %eq3A_736 = arith.cmpf oeq, %select_n3A_714, %eq3A_735 : vector<16xf32>
        %broadcast_in_dim3A_737 = vector.broadcast %scan3A_3 : i32 to vector<16xi32>
        %select_n3A_738 = arith.select %eq3A_736, %add3A_665, %broadcast_in_dim3A_737 : vector<16xi1>, vector<16xi32>
        %min3A_739 = arith.minsi %broadcast_in_dim3A_734, %select_n3A_738 : vector<16xi32>
        %eq3A_740 = vector.broadcast %reduce_max3A_733 : f32 to vector<16xf32>
        %eq3A_741 = arith.cmpf oeq, %select_n3A_718, %eq3A_740 : vector<16xf32>
        %broadcast_in_dim3A_742 = vector.broadcast %scan3A_3 : i32 to vector<16xi32>
        %select_n3A_743 = arith.select %eq3A_741, %add3A_668, %broadcast_in_dim3A_742 : vector<16xi1>, vector<16xi32>
        %min3A_744 = arith.minsi %min3A_739, %select_n3A_743 : vector<16xi32>
        %eq3A_745 = vector.broadcast %reduce_max3A_733 : f32 to vector<16xf32>
        %eq3A_746 = arith.cmpf oeq, %select_n3A_722, %eq3A_745 : vector<16xf32>
        %broadcast_in_dim3A_747 = vector.broadcast %scan3A_3 : i32 to vector<16xi32>
        %select_n3A_748 = arith.select %eq3A_746, %add3A_671, %broadcast_in_dim3A_747 : vector<16xi1>, vector<16xi32>
        %min3A_749 = arith.minsi %min3A_744, %select_n3A_748 : vector<16xi32>
        %eq3A_750 = vector.broadcast %reduce_max3A_733 : f32 to vector<16xf32>
        %eq3A_751 = arith.cmpf oeq, %select_n3A_726, %eq3A_750 : vector<16xf32>
        %broadcast_in_dim3A_752 = vector.broadcast %scan3A_3 : i32 to vector<16xi32>
        %select_n3A_753 = arith.select %eq3A_751, %add3A_674, %broadcast_in_dim3A_752 : vector<16xi1>, vector<16xi32>
        %min3A_754 = arith.minsi %min3A_749, %select_n3A_753 : vector<16xi32>
        %reduce_min3A_755 = arith.constant true
        %reduce_min3A_756 = vector.broadcast %reduce_min3A_755 : i1 to vector<16xi1>
        %reduce_min3A_757 = arith.constant -2147483648 : i32
        %reduce_min3A_758 = vector.broadcast %reduce_min3A_757 : i32 to vector<16xi32>
        %reduce_min3A_759 = arith.xori %min3A_754, %reduce_min3A_758 : vector<16xi32>
        %reduce_min3A_760 = tpu.scan <min>, %reduce_min3A_759 masked %reduce_min3A_756 : vector<16xi32>, vector<16xi1> -> vector<16xi32>
        %reduce_min3A_761 = arith.xori %reduce_min3A_760, %reduce_min3A_758 : vector<16xi32>
        %reduce_min3A_762 = vector.extract %reduce_min3A_761[15] : i32 from vector<16xi32>
        %eq3A_763 = arith.constant 10 : i32
        %eq3A_764 = vector.broadcast %eq3A_763 : i32 to vector<16xi32>
        %eq3A_765 = arith.cmpi eq, %iota3A, %eq3A_764 : vector<16xi32>
        %broadcast_in_dim3A_766 = vector.broadcast %reduce_min3A_710 : i32 to vector<16xi32>
        %select_n3A_767 = arith.select %eq3A_765, %broadcast_in_dim3A_766, %select_n3A_646 : vector<16xi1>, vector<16xi32>
        %eq3A_768 = arith.constant 11 : i32
        %eq3A_769 = vector.broadcast %eq3A_768 : i32 to vector<16xi32>
        %eq3A_770 = arith.cmpi eq, %iota3A, %eq3A_769 : vector<16xi32>
        %broadcast_in_dim3A_771 = vector.broadcast %reduce_min3A_762 : i32 to vector<16xi32>
        %select_n3A_772 = arith.select %eq3A_770, %broadcast_in_dim3A_771, %select_n3A_767 : vector<16xi1>, vector<16xi32>
        %mul3A_773 = arith.constant 8 : i32
        %mul3A_774 = arith.muli %scan3A_22, %mul3A_773 : i32
        %add3A_775 = arith.constant 6 : i32
        %add3A_776 = arith.addi %mul3A_774, %add3A_775 : i32
        %get3A_777 = arith.index_cast %add3A_776 : i32 to index
        %get3A_778 = arith.constant 0 : index
        %get3A_779 = tpu.vector_load %arg4[%get3A_777, %get3A_778] {strides = array<i32>} : memref<256x64xf32, #tpu.memory_space<vmem>>, vector<16xf32>,
        %get3A_780 = arith.index_cast %add3A_776 : i32 to index
        %get3A_781 = arith.constant 16 : index
        %get3A_782 = tpu.vector_load %arg4[%get3A_780, %get3A_781] {strides = array<i32>} : memref<256x64xf32, #tpu.memory_space<vmem>>, vector<16xf32>,
        %get3A_783 = arith.index_cast %add3A_776 : i32 to index
        %get3A_784 = arith.constant 32 : index
        %get3A_785 = tpu.vector_load %arg4[%get3A_783, %get3A_784] {strides = array<i32>} : memref<256x64xf32, #tpu.memory_space<vmem>>, vector<16xf32>,
        %get3A_786 = arith.index_cast %add3A_776 : i32 to index
        %get3A_787 = arith.constant 48 : index
        %get3A_788 = tpu.vector_load %arg4[%get3A_786, %get3A_787] {strides = array<i32>} : memref<256x64xf32, #tpu.memory_space<vmem>>, vector<16xf32>,
        %add3A_789 = arith.constant 0 : i32
        %add3A_790 = vector.broadcast %add3A_789 : i32 to vector<16xi32>
        %add3A_791 = arith.addi %iota3A, %add3A_790 : vector<16xi32>
        %add3A_792 = arith.constant 16 : i32
        %add3A_793 = vector.broadcast %add3A_792 : i32 to vector<16xi32>
        %add3A_794 = arith.addi %iota3A, %add3A_793 : vector<16xi32>
        %add3A_795 = arith.constant 32 : i32
        %add3A_796 = vector.broadcast %add3A_795 : i32 to vector<16xi32>
        %add3A_797 = arith.addi %iota3A, %add3A_796 : vector<16xi32>
        %add3A_798 = arith.constant 48 : i32
        %add3A_799 = vector.broadcast %add3A_798 : i32 to vector<16xi32>
        %add3A_800 = arith.addi %iota3A, %add3A_799 : vector<16xi32>
        %max3A_801 = arith.maximumf %get3A_779, %get3A_782 : vector<16xf32>
        %max3A_802 = arith.maximumf %max3A_801, %get3A_785 : vector<16xf32>
        %max3A_803 = arith.maximumf %max3A_802, %get3A_788 : vector<16xf32>
        %reduce_max3A_804 = arith.constant true
        %reduce_max3A_805 = vector.broadcast %reduce_max3A_804 : i1 to vector<16xi1>
        %reduce_max3A_806 = tpu.scan <max>, %max3A_803 masked %reduce_max3A_805 : vector<16xf32>, vector<16xi1> -> vector<16xf32>
        %reduce_max3A_807 = vector.extract %reduce_max3A_806[15] : f32 from vector<16xf32>
        %broadcast_in_dim3A_808 = vector.broadcast %scan3A_3 : i32 to vector<16xi32>
        %eq3A_809 = vector.broadcast %reduce_max3A_807 : f32 to vector<16xf32>
        %eq3A_810 = arith.cmpf oeq, %get3A_779, %eq3A_809 : vector<16xf32>
        %broadcast_in_dim3A_811 = vector.broadcast %scan3A_3 : i32 to vector<16xi32>
        %select_n3A_812 = arith.select %eq3A_810, %add3A_791, %broadcast_in_dim3A_811 : vector<16xi1>, vector<16xi32>
        %min3A_813 = arith.minsi %broadcast_in_dim3A_808, %select_n3A_812 : vector<16xi32>
        %eq3A_814 = vector.broadcast %reduce_max3A_807 : f32 to vector<16xf32>
        %eq3A_815 = arith.cmpf oeq, %get3A_782, %eq3A_814 : vector<16xf32>
        %broadcast_in_dim3A_816 = vector.broadcast %scan3A_3 : i32 to vector<16xi32>
        %select_n3A_817 = arith.select %eq3A_815, %add3A_794, %broadcast_in_dim3A_816 : vector<16xi1>, vector<16xi32>
        %min3A_818 = arith.minsi %min3A_813, %select_n3A_817 : vector<16xi32>
        %eq3A_819 = vector.broadcast %reduce_max3A_807 : f32 to vector<16xf32>
        %eq3A_820 = arith.cmpf oeq, %get3A_785, %eq3A_819 : vector<16xf32>
        %broadcast_in_dim3A_821 = vector.broadcast %scan3A_3 : i32 to vector<16xi32>
        %select_n3A_822 = arith.select %eq3A_820, %add3A_797, %broadcast_in_dim3A_821 : vector<16xi1>, vector<16xi32>
        %min3A_823 = arith.minsi %min3A_818, %select_n3A_822 : vector<16xi32>
        %eq3A_824 = vector.broadcast %reduce_max3A_807 : f32 to vector<16xf32>
        %eq3A_825 = arith.cmpf oeq, %get3A_788, %eq3A_824 : vector<16xf32>
        %broadcast_in_dim3A_826 = vector.broadcast %scan3A_3 : i32 to vector<16xi32>
        %select_n3A_827 = arith.select %eq3A_825, %add3A_800, %broadcast_in_dim3A_826 : vector<16xi1>, vector<16xi32>
        %min3A_828 = arith.minsi %min3A_823, %select_n3A_827 : vector<16xi32>
        %reduce_min3A_829 = arith.constant true
        %reduce_min3A_830 = vector.broadcast %reduce_min3A_829 : i1 to vector<16xi1>
        %reduce_min3A_831 = arith.constant -2147483648 : i32
        %reduce_min3A_832 = vector.broadcast %reduce_min3A_831 : i32 to vector<16xi32>
        %reduce_min3A_833 = arith.xori %min3A_828, %reduce_min3A_832 : vector<16xi32>
        %reduce_min3A_834 = tpu.scan <min>, %reduce_min3A_833 masked %reduce_min3A_830 : vector<16xi32>, vector<16xi1> -> vector<16xi32>
        %reduce_min3A_835 = arith.xori %reduce_min3A_834, %reduce_min3A_832 : vector<16xi32>
        %reduce_min3A_836 = vector.extract %reduce_min3A_835[15] : i32 from vector<16xi32>
        %eq3A_837 = vector.broadcast %reduce_min3A_836 : i32 to vector<16xi32>
        %eq3A_838 = arith.cmpi eq, %add3A_791, %eq3A_837 : vector<16xi32>
        %broadcast_in_dim3A_839 = vector.broadcast %scan3A_4 : f32 to vector<16xf32>
        %select_n3A_840 = arith.select %eq3A_838, %broadcast_in_dim3A_839, %get3A_779 : vector<16xi1>, vector<16xf32>
        %eq3A_841 = vector.broadcast %reduce_min3A_836 : i32 to vector<16xi32>
        %eq3A_842 = arith.cmpi eq, %add3A_794, %eq3A_841 : vector<16xi32>
        %broadcast_in_dim3A_843 = vector.broadcast %scan3A_4 : f32 to vector<16xf32>
        %select_n3A_844 = arith.select %eq3A_842, %broadcast_in_dim3A_843, %get3A_782 : vector<16xi1>, vector<16xf32>
        %eq3A_845 = vector.broadcast %reduce_min3A_836 : i32 to vector<16xi32>
        %eq3A_846 = arith.cmpi eq, %add3A_797, %eq3A_845 : vector<16xi32>
        %broadcast_in_dim3A_847 = vector.broadcast %scan3A_4 : f32 to vector<16xf32>
        %select_n3A_848 = arith.select %eq3A_846, %broadcast_in_dim3A_847, %get3A_785 : vector<16xi1>, vector<16xf32>
        %eq3A_849 = vector.broadcast %reduce_min3A_836 : i32 to vector<16xi32>
        %eq3A_850 = arith.cmpi eq, %add3A_800, %eq3A_849 : vector<16xi32>
        %broadcast_in_dim3A_851 = vector.broadcast %scan3A_4 : f32 to vector<16xf32>
        %select_n3A_852 = arith.select %eq3A_850, %broadcast_in_dim3A_851, %get3A_788 : vector<16xi1>, vector<16xf32>
        %max3A_853 = arith.maximumf %select_n3A_840, %select_n3A_844 : vector<16xf32>
        %max3A_854 = arith.maximumf %max3A_853, %select_n3A_848 : vector<16xf32>
        %max3A_855 = arith.maximumf %max3A_854, %select_n3A_852 : vector<16xf32>
        %reduce_max3A_856 = arith.constant true
        %reduce_max3A_857 = vector.broadcast %reduce_max3A_856 : i1 to vector<16xi1>
        %reduce_max3A_858 = tpu.scan <max>, %max3A_855 masked %reduce_max3A_857 : vector<16xf32>, vector<16xi1> -> vector<16xf32>
        %reduce_max3A_859 = vector.extract %reduce_max3A_858[15] : f32 from vector<16xf32>
        %broadcast_in_dim3A_860 = vector.broadcast %scan3A_3 : i32 to vector<16xi32>
        %eq3A_861 = vector.broadcast %reduce_max3A_859 : f32 to vector<16xf32>
        %eq3A_862 = arith.cmpf oeq, %select_n3A_840, %eq3A_861 : vector<16xf32>
        %broadcast_in_dim3A_863 = vector.broadcast %scan3A_3 : i32 to vector<16xi32>
        %select_n3A_864 = arith.select %eq3A_862, %add3A_791, %broadcast_in_dim3A_863 : vector<16xi1>, vector<16xi32>
        %min3A_865 = arith.minsi %broadcast_in_dim3A_860, %select_n3A_864 : vector<16xi32>
        %eq3A_866 = vector.broadcast %reduce_max3A_859 : f32 to vector<16xf32>
        %eq3A_867 = arith.cmpf oeq, %select_n3A_844, %eq3A_866 : vector<16xf32>
        %broadcast_in_dim3A_868 = vector.broadcast %scan3A_3 : i32 to vector<16xi32>
        %select_n3A_869 = arith.select %eq3A_867, %add3A_794, %broadcast_in_dim3A_868 : vector<16xi1>, vector<16xi32>
        %min3A_870 = arith.minsi %min3A_865, %select_n3A_869 : vector<16xi32>
        %eq3A_871 = vector.broadcast %reduce_max3A_859 : f32 to vector<16xf32>
        %eq3A_872 = arith.cmpf oeq, %select_n3A_848, %eq3A_871 : vector<16xf32>
        %broadcast_in_dim3A_873 = vector.broadcast %scan3A_3 : i32 to vector<16xi32>
        %select_n3A_874 = arith.select %eq3A_872, %add3A_797, %broadcast_in_dim3A_873 : vector<16xi1>, vector<16xi32>
        %min3A_875 = arith.minsi %min3A_870, %select_n3A_874 : vector<16xi32>
        %eq3A_876 = vector.broadcast %reduce_max3A_859 : f32 to vector<16xf32>
        %eq3A_877 = arith.cmpf oeq, %select_n3A_852, %eq3A_876 : vector<16xf32>
        %broadcast_in_dim3A_878 = vector.broadcast %scan3A_3 : i32 to vector<16xi32>
        %select_n3A_879 = arith.select %eq3A_877, %add3A_800, %broadcast_in_dim3A_878 : vector<16xi1>, vector<16xi32>
        %min3A_880 = arith.minsi %min3A_875, %select_n3A_879 : vector<16xi32>
        %reduce_min3A_881 = arith.constant true
        %reduce_min3A_882 = vector.broadcast %reduce_min3A_881 : i1 to vector<16xi1>
        %reduce_min3A_883 = arith.constant -2147483648 : i32
        %reduce_min3A_884 = vector.broadcast %reduce_min3A_883 : i32 to vector<16xi32>
        %reduce_min3A_885 = arith.xori %min3A_880, %reduce_min3A_884 : vector<16xi32>
        %reduce_min3A_886 = tpu.scan <min>, %reduce_min3A_885 masked %reduce_min3A_882 : vector<16xi32>, vector<16xi1> -> vector<16xi32>
        %reduce_min3A_887 = arith.xori %reduce_min3A_886, %reduce_min3A_884 : vector<16xi32>
        %reduce_min3A_888 = vector.extract %reduce_min3A_887[15] : i32 from vector<16xi32>
        %eq3A_889 = arith.constant 12 : i32
        %eq3A_890 = vector.broadcast %eq3A_889 : i32 to vector<16xi32>
        %eq3A_891 = arith.cmpi eq, %iota3A, %eq3A_890 : vector<16xi32>
        %broadcast_in_dim3A_892 = vector.broadcast %reduce_min3A_836 : i32 to vector<16xi32>
        %select_n3A_893 = arith.select %eq3A_891, %broadcast_in_dim3A_892, %select_n3A_772 : vector<16xi1>, vector<16xi32>
        %eq3A_894 = arith.constant 13 : i32
        %eq3A_895 = vector.broadcast %eq3A_894 : i32 to vector<16xi32>
        %eq3A_896 = arith.cmpi eq, %iota3A, %eq3A_895 : vector<16xi32>
        %broadcast_in_dim3A_897 = vector.broadcast %reduce_min3A_888 : i32 to vector<16xi32>
        %select_n3A_898 = arith.select %eq3A_896, %broadcast_in_dim3A_897, %select_n3A_893 : vector<16xi1>, vector<16xi32>
        %mul3A_899 = arith.constant 8 : i32
        %mul3A_900 = arith.muli %scan3A_22, %mul3A_899 : i32
        %add3A_901 = arith.constant 7 : i32
        %add3A_902 = arith.addi %mul3A_900, %add3A_901 : i32
        %get3A_903 = arith.index_cast %add3A_902 : i32 to index
        %get3A_904 = arith.constant 0 : index
        %get3A_905 = tpu.vector_load %arg4[%get3A_903, %get3A_904] {strides = array<i32>} : memref<256x64xf32, #tpu.memory_space<vmem>>, vector<16xf32>,
        %get3A_906 = arith.index_cast %add3A_902 : i32 to index
        %get3A_907 = arith.constant 16 : index
        %get3A_908 = tpu.vector_load %arg4[%get3A_906, %get3A_907] {strides = array<i32>} : memref<256x64xf32, #tpu.memory_space<vmem>>, vector<16xf32>,
        %get3A_909 = arith.index_cast %add3A_902 : i32 to index
        %get3A_910 = arith.constant 32 : index
        %get3A_911 = tpu.vector_load %arg4[%get3A_909, %get3A_910] {strides = array<i32>} : memref<256x64xf32, #tpu.memory_space<vmem>>, vector<16xf32>,
        %get3A_912 = arith.index_cast %add3A_902 : i32 to index
        %get3A_913 = arith.constant 48 : index
        %get3A_914 = tpu.vector_load %arg4[%get3A_912, %get3A_913] {strides = array<i32>} : memref<256x64xf32, #tpu.memory_space<vmem>>, vector<16xf32>,
        %add3A_915 = arith.constant 0 : i32
        %add3A_916 = vector.broadcast %add3A_915 : i32 to vector<16xi32>
        %add3A_917 = arith.addi %iota3A, %add3A_916 : vector<16xi32>
        %add3A_918 = arith.constant 16 : i32
        %add3A_919 = vector.broadcast %add3A_918 : i32 to vector<16xi32>
        %add3A_920 = arith.addi %iota3A, %add3A_919 : vector<16xi32>
        %add3A_921 = arith.constant 32 : i32
        %add3A_922 = vector.broadcast %add3A_921 : i32 to vector<16xi32>
        %add3A_923 = arith.addi %iota3A, %add3A_922 : vector<16xi32>
        %add3A_924 = arith.constant 48 : i32
        %add3A_925 = vector.broadcast %add3A_924 : i32 to vector<16xi32>
        %add3A_926 = arith.addi %iota3A, %add3A_925 : vector<16xi32>
        %max3A_927 = arith.maximumf %get3A_905, %get3A_908 : vector<16xf32>
        %max3A_928 = arith.maximumf %max3A_927, %get3A_911 : vector<16xf32>
        %max3A_929 = arith.maximumf %max3A_928, %get3A_914 : vector<16xf32>
        %reduce_max3A_930 = arith.constant true
        %reduce_max3A_931 = vector.broadcast %reduce_max3A_930 : i1 to vector<16xi1>
        %reduce_max3A_932 = tpu.scan <max>, %max3A_929 masked %reduce_max3A_931 : vector<16xf32>, vector<16xi1> -> vector<16xf32>
        %reduce_max3A_933 = vector.extract %reduce_max3A_932[15] : f32 from vector<16xf32>
        %broadcast_in_dim3A_934 = vector.broadcast %scan3A_3 : i32 to vector<16xi32>
        %eq3A_935 = vector.broadcast %reduce_max3A_933 : f32 to vector<16xf32>
        %eq3A_936 = arith.cmpf oeq, %get3A_905, %eq3A_935 : vector<16xf32>
        %broadcast_in_dim3A_937 = vector.broadcast %scan3A_3 : i32 to vector<16xi32>
        %select_n3A_938 = arith.select %eq3A_936, %add3A_917, %broadcast_in_dim3A_937 : vector<16xi1>, vector<16xi32>
        %min3A_939 = arith.minsi %broadcast_in_dim3A_934, %select_n3A_938 : vector<16xi32>
        %eq3A_940 = vector.broadcast %reduce_max3A_933 : f32 to vector<16xf32>
        %eq3A_941 = arith.cmpf oeq, %get3A_908, %eq3A_940 : vector<16xf32>
        %broadcast_in_dim3A_942 = vector.broadcast %scan3A_3 : i32 to vector<16xi32>
        %select_n3A_943 = arith.select %eq3A_941, %add3A_920, %broadcast_in_dim3A_942 : vector<16xi1>, vector<16xi32>
        %min3A_944 = arith.minsi %min3A_939, %select_n3A_943 : vector<16xi32>
        %eq3A_945 = vector.broadcast %reduce_max3A_933 : f32 to vector<16xf32>
        %eq3A_946 = arith.cmpf oeq, %get3A_911, %eq3A_945 : vector<16xf32>
        %broadcast_in_dim3A_947 = vector.broadcast %scan3A_3 : i32 to vector<16xi32>
        %select_n3A_948 = arith.select %eq3A_946, %add3A_923, %broadcast_in_dim3A_947 : vector<16xi1>, vector<16xi32>
        %min3A_949 = arith.minsi %min3A_944, %select_n3A_948 : vector<16xi32>
        %eq3A_950 = vector.broadcast %reduce_max3A_933 : f32 to vector<16xf32>
        %eq3A_951 = arith.cmpf oeq, %get3A_914, %eq3A_950 : vector<16xf32>
        %broadcast_in_dim3A_952 = vector.broadcast %scan3A_3 : i32 to vector<16xi32>
        %select_n3A_953 = arith.select %eq3A_951, %add3A_926, %broadcast_in_dim3A_952 : vector<16xi1>, vector<16xi32>
        %min3A_954 = arith.minsi %min3A_949, %select_n3A_953 : vector<16xi32>
        %reduce_min3A_955 = arith.constant true
        %reduce_min3A_956 = vector.broadcast %reduce_min3A_955 : i1 to vector<16xi1>
        %reduce_min3A_957 = arith.constant -2147483648 : i32
        %reduce_min3A_958 = vector.broadcast %reduce_min3A_957 : i32 to vector<16xi32>
        %reduce_min3A_959 = arith.xori %min3A_954, %reduce_min3A_958 : vector<16xi32>
        %reduce_min3A_960 = tpu.scan <min>, %reduce_min3A_959 masked %reduce_min3A_956 : vector<16xi32>, vector<16xi1> -> vector<16xi32>
        %reduce_min3A_961 = arith.xori %reduce_min3A_960, %reduce_min3A_958 : vector<16xi32>
        %reduce_min3A_962 = vector.extract %reduce_min3A_961[15] : i32 from vector<16xi32>
        %eq3A_963 = vector.broadcast %reduce_min3A_962 : i32 to vector<16xi32>
        %eq3A_964 = arith.cmpi eq, %add3A_917, %eq3A_963 : vector<16xi32>
        %broadcast_in_dim3A_965 = vector.broadcast %scan3A_4 : f32 to vector<16xf32>
        %select_n3A_966 = arith.select %eq3A_964, %broadcast_in_dim3A_965, %get3A_905 : vector<16xi1>, vector<16xf32>
        %eq3A_967 = vector.broadcast %reduce_min3A_962 : i32 to vector<16xi32>
        %eq3A_968 = arith.cmpi eq, %add3A_920, %eq3A_967 : vector<16xi32>
        %broadcast_in_dim3A_969 = vector.broadcast %scan3A_4 : f32 to vector<16xf32>
        %select_n3A_970 = arith.select %eq3A_968, %broadcast_in_dim3A_969, %get3A_908 : vector<16xi1>, vector<16xf32>
        %eq3A_971 = vector.broadcast %reduce_min3A_962 : i32 to vector<16xi32>
        %eq3A_972 = arith.cmpi eq, %add3A_923, %eq3A_971 : vector<16xi32>
        %broadcast_in_dim3A_973 = vector.broadcast %scan3A_4 : f32 to vector<16xf32>
        %select_n3A_974 = arith.select %eq3A_972, %broadcast_in_dim3A_973, %get3A_911 : vector<16xi1>, vector<16xf32>
        %eq3A_975 = vector.broadcast %reduce_min3A_962 : i32 to vector<16xi32>
        %eq3A_976 = arith.cmpi eq, %add3A_926, %eq3A_975 : vector<16xi32>
        %broadcast_in_dim3A_977 = vector.broadcast %scan3A_4 : f32 to vector<16xf32>
        %select_n3A_978 = arith.select %eq3A_976, %broadcast_in_dim3A_977, %get3A_914 : vector<16xi1>, vector<16xf32>
        %max3A_979 = arith.maximumf %select_n3A_966, %select_n3A_970 : vector<16xf32>
        %max3A_980 = arith.maximumf %max3A_979, %select_n3A_974 : vector<16xf32>
        %max3A_981 = arith.maximumf %max3A_980, %select_n3A_978 : vector<16xf32>
        %reduce_max3A_982 = arith.constant true
        %reduce_max3A_983 = vector.broadcast %reduce_max3A_982 : i1 to vector<16xi1>
        %reduce_max3A_984 = tpu.scan <max>, %max3A_981 masked %reduce_max3A_983 : vector<16xf32>, vector<16xi1> -> vector<16xf32>
        %reduce_max3A_985 = vector.extract %reduce_max3A_984[15] : f32 from vector<16xf32>
        %broadcast_in_dim3A_986 = vector.broadcast %scan3A_3 : i32 to vector<16xi32>
        %eq3A_987 = vector.broadcast %reduce_max3A_985 : f32 to vector<16xf32>
        %eq3A_988 = arith.cmpf oeq, %select_n3A_966, %eq3A_987 : vector<16xf32>
        %broadcast_in_dim3A_989 = vector.broadcast %scan3A_3 : i32 to vector<16xi32>
        %select_n3A_990 = arith.select %eq3A_988, %add3A_917, %broadcast_in_dim3A_989 : vector<16xi1>, vector<16xi32>
        %min3A_991 = arith.minsi %broadcast_in_dim3A_986, %select_n3A_990 : vector<16xi32>
        %eq3A_992 = vector.broadcast %reduce_max3A_985 : f32 to vector<16xf32>
        %eq3A_993 = arith.cmpf oeq, %select_n3A_970, %eq3A_992 : vector<16xf32>
        %broadcast_in_dim3A_994 = vector.broadcast %scan3A_3 : i32 to vector<16xi32>
        %select_n3A_995 = arith.select %eq3A_993, %add3A_920, %broadcast_in_dim3A_994 : vector<16xi1>, vector<16xi32>
        %min3A_996 = arith.minsi %min3A_991, %select_n3A_995 : vector<16xi32>
        %eq3A_997 = vector.broadcast %reduce_max3A_985 : f32 to vector<16xf32>
        %eq3A_998 = arith.cmpf oeq, %select_n3A_974, %eq3A_997 : vector<16xf32>
        %broadcast_in_dim3A_999 = vector.broadcast %scan3A_3 : i32 to vector<16xi32>
        %select_n3A_1000 = arith.select %eq3A_998, %add3A_923, %broadcast_in_dim3A_999 : vector<16xi1>, vector<16xi32>
        %min3A_1001 = arith.minsi %min3A_996, %select_n3A_1000 : vector<16xi32>
        %eq3A_1002 = vector.broadcast %reduce_max3A_985 : f32 to vector<16xf32>
        %eq3A_1003 = arith.cmpf oeq, %select_n3A_978, %eq3A_1002 : vector<16xf32>
        %broadcast_in_dim3A_1004 = vector.broadcast %scan3A_3 : i32 to vector<16xi32>
        %select_n3A_1005 = arith.select %eq3A_1003, %add3A_926, %broadcast_in_dim3A_1004 : vector<16xi1>, vector<16xi32>
        %min3A_1006 = arith.minsi %min3A_1001, %select_n3A_1005 : vector<16xi32>
        %reduce_min3A_1007 = arith.constant true
        %reduce_min3A_1008 = vector.broadcast %reduce_min3A_1007 : i1 to vector<16xi1>
        %reduce_min3A_1009 = arith.constant -2147483648 : i32
        %reduce_min3A_1010 = vector.broadcast %reduce_min3A_1009 : i32 to vector<16xi32>
        %reduce_min3A_1011 = arith.xori %min3A_1006, %reduce_min3A_1010 : vector<16xi32>
        %reduce_min3A_1012 = tpu.scan <min>, %reduce_min3A_1011 masked %reduce_min3A_1008 : vector<16xi32>, vector<16xi1> -> vector<16xi32>
        %reduce_min3A_1013 = arith.xori %reduce_min3A_1012, %reduce_min3A_1010 : vector<16xi32>
        %reduce_min3A_1014 = vector.extract %reduce_min3A_1013[15] : i32 from vector<16xi32>
        %eq3A_1015 = arith.constant 14 : i32
        %eq3A_1016 = vector.broadcast %eq3A_1015 : i32 to vector<16xi32>
        %eq3A_1017 = arith.cmpi eq, %iota3A, %eq3A_1016 : vector<16xi32>
        %broadcast_in_dim3A_1018 = vector.broadcast %reduce_min3A_962 : i32 to vector<16xi32>
        %select_n3A_1019 = arith.select %eq3A_1017, %broadcast_in_dim3A_1018, %select_n3A_898 : vector<16xi1>, vector<16xi32>
        %eq3A_1020 = arith.constant 15 : i32
        %eq3A_1021 = vector.broadcast %eq3A_1020 : i32 to vector<16xi32>
        %eq3A_1022 = arith.cmpi eq, %iota3A, %eq3A_1021 : vector<16xi32>
        %broadcast_in_dim3A_1023 = vector.broadcast %reduce_min3A_1014 : i32 to vector<16xi32>
        %select_n3A_1024 = arith.select %eq3A_1022, %broadcast_in_dim3A_1023, %select_n3A_1019 : vector<16xi1>, vector<16xi32>
        %mul3A_1025 = arith.constant 2 : i32
        %mul3A_1026 = arith.muli %scan3A_22, %mul3A_1025 : i32
        %mul3A_1027 = arith.constant 8 : i32
        %mul3A_1028 = arith.muli %mul3A_1026, %mul3A_1027 : i32
        %swap3A = arith.index_cast %mul3A_1028 : i32 to index
        %swap3A_1029 = tpu.vector_load %arg5[%swap3A] {strides = array<i32>} : memref<512xi32, #tpu.memory_space<vmem>>, vector<16xi32>,
        tpu.vector_store %arg5[%swap3A], %select_n3A_1024 {strides = array<i32>} : memref<512xi32, #tpu.memory_space<vmem>>, vector<16xi32>,
      }
      %scan3A_19 = arith.constant 32 : i32
      %mul3A_20 = arith.constant 2 : i32
      %mul3A_21 = arith.muli %add3A_13, %mul3A_20 : i32
      "tpu.region"() ({
        %run_scoped3A = tpu.sem_alloc : memref<!tpu.dma_semaphore, #tpu.memory_space<semaphore_mem>>
        %dma_start3A = tpu.memref_slice %arg3[%mul3A_21] : memref<65536xi32, #tpu.memory_space<hbm>> -> memref<512xi32, #tpu.memory_space<hbm>>
        %dma_start3A_22 = tpu.memref_slice %arg3[%mul3A_21] : memref<65536xi32, #tpu.memory_space<hbm>> -> memref<512xi32, #tpu.memory_space<hbm>>
        tpu.enqueue_dma source(%arg5 : memref<512xi32, #tpu.memory_space<vmem>>) target(%dma_start3A_22 : memref<512xi32, #tpu.memory_space<hbm>>) target_semaphore(%run_scoped3A : memref<!tpu.dma_semaphore, #tpu.memory_space<semaphore_mem>>)
        %dma_wait3A = tpu.memref_slice %arg3[%mul3A_21] : memref<65536xi32, #tpu.memory_space<hbm>> -> memref<512xi32, #tpu.memory_space<hbm>>
        %dma_wait3A_23 = tpu.memref_slice %arg3[%mul3A_21] : memref<65536xi32, #tpu.memory_space<hbm>> -> memref<512xi32, #tpu.memory_space<hbm>>
        tpu.wait_dma2 semaphore(%run_scoped3A : memref<!tpu.dma_semaphore, #tpu.memory_space<semaphore_mem>>) src(%arg5 : memref<512xi32, #tpu.memory_space<vmem>>) dst(%dma_wait3A_23 : memref<512xi32, #tpu.memory_space<hbm>>)
        tpu.yield
      }) : () -> ()
    }
    %scan3A_9 = arith.constant 4 : i32
    return
  }
}

module attributes {stable_mosaic.version = 14 : i64} {
  func.func @_router_tc_kernel(%arg0: i32, %arg1: memref<4096x768xf32, #tpu.memory_space<vmem>>, %arg2: memref<64x768xf32, #tpu.memory_space<vmem>>, %arg3: memref<4096x64xf32, #tpu.memory_space<vmem>>, %arg4: memref<4096x64xf32, #tpu.memory_space<vmem>>) attributes {dimension_semantics = [#tpu.dimension_semantics<parallel>], iteration_bounds = array<i64: 8>, scalar_prefetch = 0 : i64, scratch_operands = 0 : i64, tpu.core_type = #tpu.core_type<tc>, window_params = [{transform_indices = @transform_0, window_bounds = array<i64: 4096, 768>}, {pipeline_mode = #tpu.pipeline_mode<synchronous>, transform_indices = @transform_1, window_bounds = array<i64: 64, 768>}, {transform_indices = @transform_2, window_bounds = array<i64: 4096, 64>}, {transform_indices = @transform_3, window_bounds = array<i64: 4096, 64>}]} {
    %get3A = arith.constant 0 : index
    %get3A_0 = arith.constant 0 : index
    %get3A_1 = vector.load %arg1[%get3A, %get3A_0] : memref<4096x768xf32, #tpu.memory_space<vmem>>, vector<4096x768xf32>
    %get3A_2 = arith.constant 0 : index
    %get3A_3 = arith.constant 0 : index
    %get3A_4 = vector.load %arg2[%get3A_2, %get3A_3] : memref<64x768xf32, #tpu.memory_space<vmem>>, vector<64x768xf32>
    %dot_general3A = arith.constant dense<0.000000e+00> : vector<4096x64xf32>
    %dot_general3A_5 = tpu.matmul %get3A_1, %get3A_4, %dot_general3A {dimension_numbers = #tpu.dot_dimension_numbers<[1], [1], [0], [0], [0, 0, 1, 0], [], []>, transpose_lhs_hint = false} : vector<4096x768xf32>, vector<64x768xf32>, vector<4096x64xf32> -> vector<4096x64xf32>
    %reduce_max3A = arith.constant dense<0xFF800000> : vector<4096xf32>
    %reduce_max3A_6 = vector.multi_reduction <maximumf>, %dot_general3A_5, %reduce_max3A [1] : vector<4096x64xf32> to vector<4096xf32>
    %broadcast_in_dim3A = vector.shape_cast %reduce_max3A_6 : vector<4096xf32> to vector<4096x1xf32>
    %sub3A = vector.broadcast %broadcast_in_dim3A : vector<4096x1xf32> to vector<4096x64xf32>
    %sub3A_7 = arith.subf %dot_general3A_5, %sub3A : vector<4096x64xf32>
    %exp3A = math.exp %sub3A_7 : vector<4096x64xf32>
    %reduce_sum3A = arith.constant dense<0.000000e+00> : vector<4096xf32>
    %reduce_sum3A_8 = vector.multi_reduction <add>, %exp3A, %reduce_sum3A [1] : vector<4096x64xf32> to vector<4096xf32>
    %broadcast_in_dim3A_9 = vector.shape_cast %reduce_sum3A_8 : vector<4096xf32> to vector<4096x1xf32>
    %swap3A = arith.constant 0 : index
    %swap3A_10 = arith.constant 0 : index
    %swap3A_11 = vector.load %arg3[%swap3A, %swap3A_10] : memref<4096x64xf32, #tpu.memory_space<vmem>>, vector<4096x64xf32>
    tpu.vector_store %arg3[%swap3A, %swap3A_10], %dot_general3A_5 {strides = array<i32>} : memref<4096x64xf32, #tpu.memory_space<vmem>>, vector<4096x64xf32>,
    %div3A = vector.broadcast %broadcast_in_dim3A_9 : vector<4096x1xf32> to vector<4096x64xf32>
    %div3A_12 = arith.divf %exp3A, %div3A : vector<4096x64xf32>
    %swap3A_13 = arith.constant 0 : index
    %swap3A_14 = arith.constant 0 : index
    %swap3A_15 = vector.load %arg4[%swap3A_13, %swap3A_14] : memref<4096x64xf32, #tpu.memory_space<vmem>>, vector<4096x64xf32>
    tpu.vector_store %arg4[%swap3A_13, %swap3A_14], %div3A_12 {strides = array<i32>} : memref<4096x64xf32, #tpu.memory_space<vmem>>, vector<4096x64xf32>,
    return
  }
  func.func @transform_0(%arg0: i32) -> (i32, i32) {
    %c0_i32 = arith.constant 0 : i32
    %c0_i32_0 = arith.constant 0 : i32
    return %arg0, %c0_i32 : i32, i32
  }
  func.func @transform_1(%arg0: i32) -> (i32, i32) {
    %c0_i32 = arith.constant 0 : i32
    %c0_i32_0 = arith.constant 0 : i32
    %c0_i32_1 = arith.constant 0 : i32
    return %c0_i32, %c0_i32_0 : i32, i32
  }
  func.func @transform_2(%arg0: i32) -> (i32, i32) {
    %c0_i32 = arith.constant 0 : i32
    %c0_i32_0 = arith.constant 0 : i32
    return %arg0, %c0_i32 : i32, i32
  }
  func.func @transform_3(%arg0: i32) -> (i32, i32) {
    %c0_i32 = arith.constant 0 : i32
    %c0_i32_0 = arith.constant 0 : i32
    return %arg0, %c0_i32 : i32, i32
  }
}

</mosaic_0001>

<sc_bundles>
// kernel: kernel.4.cloned.1.call-start
scs
__scs_entry_jumppad:
0x0: {  	(pc) =	sbr.rel $0x88, $3  }
0x1: {  	(tag) =	ssettag $0x0;
	lr =	simm.s32 $0x1  }
0x2: {  	[smem:$0x3F9F] =	sst lr;
	_ =	strace $0xD0000000  }
0x3: {  	_ = 	snop  }
0x4: {  	_ = 	snop  }
0x5: {  	_ = 	snop  }
0x6: {  	_ = 	snop  }
0x7: {  	_ = 	snop  }
__scs_overlays_trampoline_lowered:
0x8: {  	[smem:$0x3FAE] =	sst s0  }
0x9: {  	[smem:$0x3FAF] =	sst s1  }
0xa: {  	[smem:$0x3FB0] =	sst s2  }
0xb: {  	[smem:$0x3FB1] =	sst s3  }
0xc: {  	[smem:$0x3FB2] =	sst s4  }
0xd: {  	[smem:$0x3FB3] =	sst s5  }
0xe: {  	[smem:$0x3FB4] =	sst s6  }
0xf: {  	[smem:$0x3FB5] =	sst s7  }
0x10: {  	[smem:$0x3FB6] =	sst s8  }
0x11: {  	[smem:$0x3FB7] =	sst s9;
	s0 =	simm.s32 @!p0 $0x0  }
0x12: {  	s1 =	sld [smem:$0x3F9D];
	s0 =	simm.s32 @p0 $0x1  }
0x13: {  	[smem:$0x3FB8] =	sst s0;
	s0 =	simm.s32 @!p1 $0x0  }
0x14: {  	s2 =	sld [smem:$0x3F9C];
	s0 =	simm.s32 @p1 $0x1  }
0x15: {  	[smem:$0x3FB9] =	sst s0;
	s0 =	simm.s32 @!p2 $0x0  }
0x16: {  	s3 =	sld [smem:$0x3FDB];
	s0 =	simm.s32 @p2 $0x1  }
0x17: {  	s4 =	simm.s32 $0x1BF5;
	[smem:$0x3FBB] =	sst s0  }
0x18: {  	s0 =	sld [smem:$0x3F9E];
	_ =	swait.ge [sflag:s4], $0x0  }
0x19: {  	s7 =	sld [smem:$0x3F9F]  }
0x1a: {  	s8 =	sadd.s32 $0xFFFFE003, lr  }
0x1b: {  	s9 =	sadd.s32 $0xFFFFFEF7, lr;
	s5 =	simm.s32 $0xFFFFFFFF;
	p2 =	slt.u32 s8, $0xFFFFF086  }
0x1c: {  	p1 =	slt.u32 s9, $0xF7A;
	s5 =	simm.s32 @!p2 $0x0  }
0x1d: {  	s5 =	simm.s32 @p1 $0x1;
	p0 =	seq.s32 s7, s2  }
0x1e: {  	s7 =	smul.u32 @!p0 $0xF7A, s2;
	p2 =	seq.s32 @!p0 s5, $0x0  }
0x1f: {  	s9 =	smul.u32 $0xF7A, s1;
	s8 =	simm.s32 @!p0 $0x1BF5;
	p2 =	por !p2, p0  }
0x20: {  	[sflag:s8] =	ssyncset.s32 @!p0 $0xFFFFF086;
	s6 =	sadd.s32 @!p0 s3, s7;
	s7 =	simm.s32 @!p0 $0x108  }
0x21: {  	s3 =	sadd.s32 s3, s9;
	s6 =	sadd.s32 @!p0 $0x88, s6;
	s7 =	simm.s32 @p2 $0x1082  }
0x22: {  	[simem:s7], [sflag:s8] =	dma.local @!p0 [hbm:s6], $0xF7A  }
0x23: {  	s9 =	sor.u32 $0xD0000000, s2;
	s6 =	simm.s32 $0x108;
	_ =	swait.ge @!p0 [sflag:s8], $0x0  }
0x24: {  	s3 =	sadd.s32 $0x88, s3;
	s6 =	simm.s32 @!p1 $0x1082;
	[sflag:s4] =	ssyncset.s32 $0xFFFFF086  }
0x25: {  	[simem:s6], [sflag:s4] =	dma.local [hbm:s3], $0xF7A  }
0x26: {  	[smem:$0x3F9F] =	sst s1;
	(tag) =	ssettag s2;
	_ =	strace s9  }
0x27: {  	s1 =	sld [smem:$0x3FAF]  }
0x28: {  	s2 =	sld [smem:$0x3FB0]  }
0x29: {  	s4 =	sld [smem:$0x3FB2]  }
0x2a: {  	p0 =	seq.s32 s5, $0x0;
	s5 =	sld [smem:$0x3FB3]  }
0x2b: {  	s6 =	sld [smem:$0x3FB4]  }
0x2c: {  	s7 =	sld [smem:$0x3FB5]  }
0x2d: {  	s3 =	simm.s32 $0x108;
	s8 =	sld [smem:$0x3FB6]  }
0x2e: {  	s3 =	simm.s32 @!p0 $0x1082;
	s9 =	sld [smem:$0x3FB7]  }
0x2f: {  	lr =	sadd.s32 s0, s3;
	s0 =	sld [smem:$0x3FAE]  }
0x30: {  	s3 =	sld [smem:$0x3FB1]  }
0x31: {  	[smem:$0x3FBA] =	sst s10  }
0x32: {  	s10 =	sld [smem:$0x3FB8];
	_ =	sdelay $0x3  }
0x33: {  	p0 =	seq.s32 s10, $0x1;
	s10 =	sld [smem:$0x3FBA];
	_ =	sdelay $0x3  }
0x34: {  	[smem:$0x3FBA] =	sst s10  }
0x35: {  	s10 =	sld [smem:$0x3FB9];
	_ =	sdelay $0x3  }
0x36: {  	p1 =	seq.s32 s10, $0x1;
	s10 =	sld [smem:$0x3FBA];
	_ =	sdelay $0x3  }
0x37: {  	[smem:$0x3FBA] =	sst s10  }
0x38: {  	s10 =	sld [smem:$0x3FBB]  }
0x39: {  	_ = 	snop;
	(pc) =	sbr.ind lr, $3  }
0x3a: {  	_ = 	snop  }
0x3b: {  	_ = 	snop  }
0x3c: {  	p2 =	seq.s32 s10, $0x1;
	s10 =	sld [smem:$0x3FBA]  }
0x3d: {  	_ =	shalt  }
0x3e: {  	_ =	shalt  }
0x3f: {  	_ =	shalt  }
0x40: {  	_ =	shalt  }
0x41: {  	_ =	shalt  }
0x42: {  	_ =	shalt  }
0x43: {  	_ =	shalt  }
0x44: {  	_ =	shalt  }
0x45: {  	_ =	shalt  }
0x46: {  	_ =	shalt  }
0x47: {  	_ =	shalt  }
0x48: {  	_ =	shalt  }
0x49: {  	_ =	shalt  }
0x4a: {  	_ =	shalt  }
0x4b: {  	_ =	shalt  }
0x4c: {  	_ =	shalt  }
0x4d: {  	_ =	shalt  }
0x4e: {  	_ =	shalt  }
0x4f: {  	_ =	shalt  }
0x50: {  	_ =	shalt  }
0x51: {  	_ =	shalt  }
0x52: {  	_ =	shalt  }
0x53: {  	_ =	shalt  }
0x54: {  	_ =	shalt  }
0x55: {  	_ =	shalt  }
0x56: {  	_ =	shalt  }
0x57: {  	_ =	shalt  }
0x58: {  	_ =	shalt  }
0x59: {  	_ =	shalt  }
0x5a: {  	_ =	shalt  }
0x5b: {  	_ =	shalt  }
0x5c: {  	_ =	shalt  }
0x5d: {  	_ =	shalt  }
0x5e: {  	_ =	shalt  }
0x5f: {  	_ =	shalt  }
0x60: {  	_ =	shalt  }
0x61: {  	_ =	shalt  }
0x62: {  	_ =	shalt  }
0x63: {  	_ =	shalt  }
0x64: {  	_ =	shalt  }
0x65: {  	_ =	shalt  }
0x66: {  	_ =	shalt  }
0x67: {  	_ =	shalt  }
0x68: {  	_ =	shalt  }
0x69: {  	_ =	shalt  }
0x6a: {  	_ =	shalt  }
0x6b: {  	_ =	shalt  }
0x6c: {  	_ =	shalt  }
0x6d: {  	_ =	shalt  }
0x6e: {  	_ =	shalt  }
0x6f: {  	_ =	shalt  }
0x70: {  	_ =	shalt  }
0x71: {  	_ =	shalt  }
0x72: {  	_ =	shalt  }
0x73: {  	_ =	shalt  }
0x74: {  	_ =	shalt  }
0x75: {  	_ =	shalt  }
0x76: {  	_ =	shalt  }
0x77: {  	_ =	shalt  }
0x78: {  	_ =	shalt  }
0x79: {  	_ =	shalt  }
0x7a: {  	_ =	shalt  }
0x7b: {  	_ =	shalt  }
0x7c: {  	_ =	shalt  }
0x7d: {  	_ =	shalt  }
0x7e: {  	_ =	shalt  }
0x7f: {  	_ =	shalt  }
0x80: {  	_ =	shalt  }
0x81: {  	_ =	shalt  }
0x82: {  	_ =	shalt  }
0x83: {  	_ =	shalt  }
0x84: {  	_ =	shalt  }
0x85: {  	_ =	shalt  }
0x86: {  	_ =	shalt  }
0x87: {  	_ =	shalt  }
.Lfunc_end0:
.L_simem_size_0:
called_computation_lowered:
.L_overlay_start_0:
0x88: {  	s2 =	sld [smem:$0x3FD9]  }
0x89: {  	s3 =	sld [smem:$0x3FFE];
	_ =	sdelay $0x1  }
0x8a: {  	s1 =	srdreg.scid  }
0x8b: {  	s0 =	sand.u32 $0x1, s1  }
0x8c: {  	s14 =	sshll.u32 s0, $0xA;
	s2 =	sadd.s32 s3, s2  }
0x8d: {  	s2 =	sadd.s32 s2, s14  }
0x8e: {  	[smem:$0x3FC6] =	sst s2  }
0x8f: {  	_ = 	snop  }
0x90: {  	s2 =	sld [smem:$0x3FD0];
	_ =	sdelay $0x2  }
0x91: {  	s15 =	simm.s32 $0xA;
	s4 =	simm.s32 $0x10  }
0x92: {  	[smem:s4], [sflag:s15] =	dma.local [hbm:s2], $0x1  }
0x93: {  	_ =	swait.eq [sflag:s15], $0x1  }
0x94: {  	[sflag:s15] =	ssyncset.done $0x0  }
0x95: {  	[sflag:s15] =	ssyncadd.s32 $0xFFFFFFFF  }
0x96: {  	s16 =	sld [smem:$0x12];
	(tm) =	ssettm $0x1  }
0x97: {  	s17 =	sld [smem:$0x3FFB];
	_ =	sdelay $0x3  }
0x98: {  	_ =	strace s17  }
0x99: {  	s3 =	sld [smem:$0x3FFC];
	_ =	sdelay $0x3  }
0x9a: {  	_ =	strace s3  }
0x9b: {  	s3 =	sld [smem:$0x3FFD];
	_ =	sdelay $0x3  }
0x9c: {  	_ =	strace s3  }
0x9d: {  	_ =	strace $0x8FFFFFFF  }
0x9e: {  	s18 =	sld [smem:$0x3FDB];
	_ =	sdelay $0x1  }
0x9f: {  	s19 =	simm.s32 $_scs_section_size  }
0xa0: {  	s5 =	simm.s32 $_size__tile_overlayer_lowered;
	s6 =	simm.s32 $_tile_overlayer_lowered  }
0xa1: {  	s22 =	simm.s32 $0x1BFF;
	s21 =	sshll.u32 s6, $0x1;
	s3 =	sadd.s32 s19, s18  }
0xa2: {  	s7 =	simm.s32 $0x0;
	s20 =	sshll.u32 s5, $0x1;
	s5 =	sadd.s32 s21, s3  }
0xa3: {  	[timem:s7], [sflag:s22] =	dma.local [hbm:s5], s20  }
0xa4: {  	_ =	swait.ge [sflag:s22], s20  }
0xa5: {  	s4 =	ssub.s32 $0x0, s20;
	[sflag:s22] =	ssyncset.done $0x0  }
0xa6: {  	[sflag:s22] =	ssyncadd.s32 s4;
	_ =	sdelay $0x1  }
0xa7: {  	s23 =	simm.s32 $0x1B8B  }
0xa8: {  	_ =	swait.ge [sflag:s23], $0x1  }
0xa9: {  	[sflag:s23] =	ssyncset.done $0x0  }
0xaa: {  	s25 =	simm.s32 $0x1B8E;
	s24 =	sld [smem:$0x3FFE];
	[sflag:s23] =	ssyncadd.s32 $0xFFFFFFFF  }
0xab: {  	s26 =	simm.s32 $execute0_lowered;
	[smem:$0x3FD2] =	sst s25  }
0xac: {  	s5 =	sshll.u32 s26, $0x1;
	_ =	strace $0x80000046;
	[dreg:$0x1] =	wrdreg $0xFFFFFFFF  }
0xad: {  	s28 =	simm.s32 $_size_execute0_lowered;
	s3 =	sadd.s32 s3, s5;
	[dreg:$0x0] =	wrdreg $0x0  }
0xae: {  	s5 =	sshll.u32 s28, $0x1;
	[dreg:$0x2] =	wrdreg s3  }
0xaf: {  	[dreg:$0x3] =	wrdreg s5  }
0xb0: {  	[dreg:$0x4] =	wrdreg $0xC0  }
0xb1: {  	_ =	task [dreg:s7], $0x5FFFF  }
0xb2: {  	[dreg:$0x1] =	wrdreg $0xFFFFFFFF  }
0xb3: {  	[dreg:$0x0] =	wrdreg $0x60  }
0xb4: {  	[dreg:$0x2] =	wrdreg s24  }
0xb5: {  	[dreg:$0x3] =	wrdreg s16  }
0xb6: {  	[dreg:$0x4] =	wrdreg $0x9  }
0xb7: {  	_ =	task.clear_ibuf [dreg:s7], $0x5FFFF;
	_ =	strace $0x90000046  }
0xb8: {  	s29 =	simm.s32 $0x9;
	_ =	strace $0x80000048  }
0xb9: {  	_ =	swait.ge [sflag:s29], $0x1  }
0xba: {  	[sflag:s29] =	ssyncadd.s32 $0xFFFFFFFF  }
0xbb: {  	_ =	strace $0x90000048  }
0xbc: {  	_ =	sfence  }
0xbd: {  	s30 =	sld [smem:$0x0];
	_ =	sdelay $0x2  }
0xbe: {  	s31 =	sshll.u32 s1, $0xD;
	s1 =	sshrl.u32 s1, $0x2  }
0xbf: {  	s3 =	sand.u32 $0x4000, s31;
	s1 =	sadd.s32 s1, s30  }
0xc0: {  	s0 =	sor.u32 s3, s0;
	s1 =	sshll.u32 s1, $0x11  }
0xc1: {  	s0 =	sor.u32 s1, s0  }
0xc2: {  	s0 =	sadd.s32 $0x8F2B, s0  }
0xc3: {  	[sflag:s0] =	ssyncadd.remote.s32 $0x1  }
0xc4: {  	_ =	sfence.sel $0xFFFF  }
0xc5: {  	[dreg:$0x0] =	wrdreg $0xFFFFFFFF;
	(pc) =	sbr.abs _section_cstart, $3  }
0xc6: {  	[dreg:$0x1] =	wrdreg $0xFFFFFFFF  }
0xc7: {  	_ =	task.clear_ibuf [dreg:s7], $0x2FFFF;
	_ =	strace $0x9FFFFFFF  }
0xc8: {  	(tm) =	ssettm $0x7FFFFFFF  }
0xc9: {  	_ =	shalt  }
tec
execute0_lowered:
.L_overlay_start_1:
0x0: {  	(tag) =	ssettag $0x1  }
0x1: {  	s4 =	rddreg [dreg:$0x0]  }
0x2: {  	s1 =	rddreg [dreg:$0x1]  }
0x3: {  	s3 =	srdreg.scid;
	s0 =	rddreg [dreg:$0x2];
	s2 =	simm.s32 $0x0;
	v0 =	vlaneseq.u32  }
0x4: {  	vm0 =	vcmask $0xB08;
	vm1 =	vcmask $0x1310;
	vm2 =	vcmask $0x1B18;
	s8 =	simm.s32 $0x8000;
	s9 =	simm.s32 $0x0;
	s5 =	sand.u32 $0x1, s3  }
0x5: {  	vm3 =	vcmask $0x2320;
	vm4 =	vcmask $0x2B28;
	[smem:$0x7FF] =	sst s2;
	v1 =	vor.u32 $0x80000030, v0;
	s3 =	stileid.u32;
	s6 =	ssub.s32 $0x2, s5  }
0x6: {  	vm5 =	vcmask $0x3330;
	v2 =	vor.u32 $0x80000020, v0;
	s4 =	sadd.s32 $0x80C00, s4;
	_ =	strace $0x80000047;
	s7 =	sshrl.u32 s6, $0x1  }
0x7: {  	vm6 =	vcmask $0x3B38;
	v3 =	vor.u32 $0x80000010, v0;
	v4 =	vor.u32 $0x80000000, v0;
	s31 =	sshll.u32 s3, $0xB;
	s5 =	sshll.u32 s5, $0xA;
	s6 =	ssub.s32 s6, s7  }
0x8: {  	v5 =	vor.u32 $0x10, v0;
	v6 =	vor.u32 $0x20, v0;
	v7 =	vor.u32 $0x30, v0;
	s5 =	sor.u32 s5, s31;
	s7 =	simm.s32 $0x1;
	s6 =	smax.u32 s6, $0x1  }
.LBB2_1:
0x9: {  	s10 =	simm.s32 $0x0  }
.LBB2_2:
0xa: {  	s11 =	sshll.u32 s10, $0x8  }
0xb: {  	s11 =	sadd.s32 s5, s11  }
0xc: {  	s12 =	sshll.u32 s11, $0x4  }
0xd: {  	s13 =	sadd.s32 s4, s12;
	s12 =	simm.s32 $0x0  }
0xe: {  	[tilespmem:s12], [sflag:$0x1] =	stream.linear.gather [hbm4b:s13+s12], $0x8000, $0x38;
	[tilespmem:$0x8200] =	vst v63  }
0xf: {  	_ =	swait.ge [sflag:s7], $0x8000  }
0x10: {  	[sflag:s7] =	ssyncset.done $0x0  }
0x11: {  	s13 =	simm.s32 $0x200;
	[sflag:s7] =	ssyncadd.s32 $0xFFFF8000  }
.LBB2_3:
0x12: {  	v9 =	vld [tilespmem:s13+$0xFFFFFE00]  }
0x13: {  	v10 =	vld [tilespmem:s13+$0xFFFFFE10]  }
0x14: {  	v11 =	vld [tilespmem:s13+$0xFFFFFE20]  }
0x15: {  	v12 =	vld [tilespmem:s13+$0xFFFFFE30];
	_ =	sdelay $0x2  }
0x16: {  	v8 =	vmax.f32 v9, v10  }
0x17: {  	v8 =	vmax.f32 v8, v11  }
0x18: {  	v8 =	vmax.f32 v8, v12  }
0x19: {  	(xrf0) =	vmax.scan.msk.f32 $0xffff, v8;
	_ =	sdelay $0x5  }
0x1a: {  	v8, _, _ =	vpop (xrf0)  }
0x1b: {  	v8 =	vbroadcast v8, $0xF;
	_ =	sdelay $0x1  }
0x1c: {  	vm7 =	veq.f32 v12, v8  }
0x1d: {  	vm8 =	veq.f32 v11, v8;
	v13 =	vnsel vm7, $0x80000040, v1  }
0x1e: {  	vm7 =	veq.f32 v10, v8;
	v13 =	vsel vm8, v2, v13  }
0x1f: {  	vm8 =	veq.f32 v9, v8;
	v8 =	vsel vm7, v3, v13  }
0x20: {  	v8 =	vsel vm8, v4, v8  }
0x21: {  	(xrf0) =	vmin.scan.msk.u32 $0xffff, v8;
	_ =	sdelay $0x5  }
0x22: {  	v8, _, _ =	vpop (xrf0)  }
0x23: {  	(v2sf) =	vpush v8, $0xF;
	_ =	sdelay $0xe  }
0x24: {  	s14 =	spop (v2sf)  }
0x25: {  	s14 =	sxor.u32 $0x80000000, s14  }
0x26: {  	v8 =	vmov s14  }
0x27: {  	vm7 =	veq.s32 v8, v0;
	vm8 =	veq.s32 v8, v5  }
0x28: {  	v9 =	vsel vm7, $0xFF800000, v9;
	v10 =	vsel vm8, $0xFF800000, v10;
	vm7 =	veq.s32 v8, v6  }
0x29: {  	v11 =	vsel vm7, $0xFF800000, v11;
	vm7 =	veq.s32 v8, v7;
	v25 =	vmax.f32 v9, v10  }
0x2a: {  	v12 =	vsel vm7, $0xFF800000, v12;
	v13 =	vmax.f32 v25, v11  }
0x2b: {  	v13 =	vmax.f32 v13, v12  }
0x2c: {  	(xrf0) =	vmax.scan.msk.f32 $0xffff, v13;
	_ =	sdelay $0x5  }
0x2d: {  	v14 =	vld [tilespmem:s13+$0xFFFFFE80];
	v13, _, _ =	vpop (xrf0)  }
0x2e: {  	v15 =	vld [tilespmem:s13+$0xFFFFFE90];
	v13 =	vbroadcast v13, $0xF  }
0x2f: {  	v16 =	vld [tilespmem:s13+$0xFFFFFEA0]  }
0x30: {  	v26 =	vld [tilespmem:s13+$0xFFFFFEB0];
	vm7 =	veq.f32 v12, v13  }
0x31: {  	vm8 =	veq.f32 v11, v13;
	v27 =	vnsel vm7, $0x80000040, v1  }
0x32: {  	vm7 =	veq.f32 v10, v13;
	v28 =	vsel vm8, v2, v27  }
0x33: {  	v30 =	vmax.f32 v14, v15;
	vm8 =	veq.f32 v9, v13;
	v29 =	vsel vm7, v3, v28  }
0x34: {  	v10 =	vmax.f32 v30, v16;
	v9 =	vsel vm8, v4, v29  }
0x35: {  	v31 =	vmax.f32 v10, v26;
	(xrf0) =	vmin.scan.msk.u32 $0xffff, v9  }
0x36: {  	(xrf0) =	vmax.scan.msk.f32 $0xffff, v31;
	_ =	sdelay $0x4  }
0x37: {  	v32, _, _ =	vpop (xrf0)  }
0x38: {  	v33, _, _ =	vpop (xrf0)  }
0x39: {  	v10 =	vbroadcast v33, $0xF;
	_ =	sdelay $0x1  }
0x3a: {  	vm7 =	veq.f32 v26, v10  }
0x3b: {  	vm8 =	veq.f32 v16, v10;
	v34 =	vnsel vm7, $0x80000040, v1  }
0x3c: {  	vm7 =	veq.f32 v15, v10;
	v11 =	vsel vm8, v2, v34  }
0x3d: {  	vm8 =	veq.f32 v14, v10;
	v35 =	vsel vm7, v3, v11  }
0x3e: {  	v10 =	vsel vm8, v4, v35  }
0x3f: {  	(xrf0) =	vmin.scan.msk.u32 $0xffff, v10;
	_ =	sdelay $0x5  }
0x40: {  	(v2sf) =	vpush v32, $0xF;
	v36, _, _ =	vpop (xrf0)  }
0x41: {  	(v2sf) =	vpush v36, $0xF;
	_ =	sdelay $0xd  }
0x42: {  	s15 =	spop (v2sf)  }
0x43: {  	s16 =	spop (v2sf)  }
0x44: {  	s14 =	sxor.u32 $0x80000000, s16  }
0x45: {  	v37 =	vmov s14  }
0x46: {  	vm7 =	veq.s32 v37, v0;
	vm8 =	veq.s32 v37, v5  }
0x47: {  	v38 =	vsel vm7, $0xFF800000, v14;
	v39 =	vsel vm8, $0xFF800000, v15;
	vm7 =	veq.s32 v37, v6  }
0x48: {  	v40 =	vsel vm7, $0xFF800000, v16;
	vm7 =	veq.s32 v37, v7;
	v41 =	vmax.f32 v38, v39  }
0x49: {  	v12 =	vsel vm7, $0xFF800000, v26;
	v9 =	vmax.f32 v41, v40  }
0x4a: {  	v9 =	vmax.f32 v9, v12  }
0x4b: {  	(xrf0) =	vmax.scan.msk.f32 $0xffff, v9;
	_ =	sdelay $0x5  }
0x4c: {  	v42 =	vld [tilespmem:s13+$0xFFFFFF00];
	v9, _, _ =	vpop (xrf0)  }
0x4d: {  	v43 =	vld [tilespmem:s13+$0xFFFFFF10];
	v9 =	vbroadcast v9, $0xF  }
0x4e: {  	v44 =	vld [tilespmem:s13+$0xFFFFFF20]  }
0x4f: {  	v45 =	vld [tilespmem:s13+$0xFFFFFF30];
	vm7 =	veq.f32 v12, v9  }
0x50: {  	vm8 =	veq.f32 v40, v9;
	v46 =	vnsel vm7, $0x80000040, v1  }
0x51: {  	vm7 =	veq.f32 v39, v9;
	v47 =	vsel vm8, v2, v46  }
0x52: {  	v49 =	vmax.f32 v42, v43;
	vm8 =	veq.f32 v38, v9;
	v48 =	vsel vm7, v3, v47  }
0x53: {  	v10 =	vmax.f32 v49, v44;
	v9 =	vsel vm8, v4, v48  }
0x54: {  	v50 =	vmax.f32 v10, v45;
	(xrf0) =	vmin.scan.msk.u32 $0xffff, v9  }
0x55: {  	(xrf0) =	vmax.scan.msk.f32 $0xffff, v50;
	_ =	sdelay $0x4  }
0x56: {  	v51, _, _ =	vpop (xrf0)  }
0x57: {  	v52, _, _ =	vpop (xrf0)  }
0x58: {  	v10 =	vbroadcast v52, $0xF;
	_ =	sdelay $0x1  }
0x59: {  	vm7 =	veq.f32 v45, v10  }
0x5a: {  	vm8 =	veq.f32 v44, v10;
	v53 =	vnsel vm7, $0x80000040, v1  }
0x5b: {  	vm7 =	veq.f32 v43, v10;
	v11 =	vsel vm8, v2, v53  }
0x5c: {  	vm8 =	veq.f32 v42, v10;
	v54 =	vsel vm7, v3, v11  }
0x5d: {  	v10 =	vsel vm8, v4, v54  }
0x5e: {  	(xrf0) =	vmin.scan.msk.u32 $0xffff, v10;
	_ =	sdelay $0x5  }
0x5f: {  	(v2sf) =	vpush v51, $0xF;
	v55, _, _ =	vpop (xrf0)  }
0x60: {  	(v2sf) =	vpush v55, $0xF;
	_ =	sdelay $0xd  }
0x61: {  	s17 =	spop (v2sf)  }
0x62: {  	s16 =	spop (v2sf)  }
0x63: {  	s16 =	sxor.u32 $0x80000000, s16  }
0x64: {  	v56 =	vmov s16  }
0x65: {  	vm7 =	veq.s32 v56, v0;
	vm8 =	veq.s32 v56, v5  }
0x66: {  	v57 =	vsel vm7, $0xFF800000, v42;
	v58 =	vsel vm8, $0xFF800000, v43;
	vm7 =	veq.s32 v56, v6  }
0x67: {  	v59 =	vsel vm7, $0xFF800000, v44;
	vm7 =	veq.s32 v56, v7;
	v60 =	vmax.f32 v57, v58  }
0x68: {  	v12 =	vsel vm7, $0xFF800000, v45;
	v9 =	vmax.f32 v60, v59  }
0x69: {  	v9 =	vmax.f32 v9, v12  }
0x6a: {  	(xrf0) =	vmax.scan.msk.f32 $0xffff, v9;
	_ =	sdelay $0x5  }
0x6b: {  	v61 =	vld [tilespmem:s13+$0xFFFFFF80];
	v9, _, _ =	vpop (xrf0)  }
0x6c: {  	v62 =	vld [tilespmem:s13+$0xFFFFFF90];
	v9 =	vbroadcast v9, $0xF  }
0x6d: {  	v63 =	vld [tilespmem:s13+$0xFFFFFFA0]  }
0x6e: {  	v18 =	vld [tilespmem:s13+$0xFFFFFFB0];
	vm7 =	veq.f32 v12, v9  }
0x6f: {  	vm8 =	veq.f32 v59, v9;
	v19 =	vnsel vm7, $0x80000040, v1  }
0x70: {  	vm7 =	veq.f32 v58, v9;
	v20 =	vsel vm8, v2, v19  }
0x71: {  	v22 =	vmax.f32 v61, v62;
	vm8 =	veq.f32 v57, v9;
	v21 =	vsel vm7, v3, v20  }
0x72: {  	v10 =	vmax.f32 v22, v63;
	v9 =	vsel vm8, v4, v21  }
0x73: {  	v23 =	vmax.f32 v10, v18;
	(xrf0) =	vmin.scan.msk.u32 $0xffff, v9  }
0x74: {  	(xrf0) =	vmax.scan.msk.f32 $0xffff, v23;
	_ =	sdelay $0x4  }
0x75: {  	v24, _, _ =	vpop (xrf0)  }
0x76: {  	v25, _, _ =	vpop (xrf0)  }
0x77: {  	v10 =	vbroadcast v25, $0xF;
	_ =	sdelay $0x1  }
0x78: {  	vm7 =	veq.f32 v18, v10  }
0x79: {  	vm8 =	veq.f32 v63, v10;
	v26 =	vnsel vm7, $0x80000040, v1  }
0x7a: {  	vm7 =	veq.f32 v62, v10;
	v11 =	vsel vm8, v2, v26  }
0x7b: {  	vm8 =	veq.f32 v61, v10;
	v27 =	vsel vm7, v3, v11  }
0x7c: {  	v10 =	vsel vm8, v4, v27  }
0x7d: {  	(xrf0) =	vmin.scan.msk.u32 $0xffff, v10;
	_ =	sdelay $0x5  }
0x7e: {  	(v2sf) =	vpush v24, $0xF;
	v28, _, _ =	vpop (xrf0)  }
0x7f: {  	(v2sf) =	vpush v28, $0xF;
	_ =	sdelay $0xd  }
0x80: {  	s19 =	spop (v2sf)  }
0x81: {  	s18 =	spop (v2sf)  }
0x82: {  	s18 =	sxor.u32 $0x80000000, s18  }
0x83: {  	v29 =	vmov s18  }
0x84: {  	vm7 =	veq.s32 v29, v0;
	vm8 =	veq.s32 v29, v5  }
0x85: {  	v30 =	vsel vm7, $0xFF800000, v61;
	v31 =	vsel vm8, $0xFF800000, v62;
	vm7 =	veq.s32 v29, v6  }
0x86: {  	v32 =	vsel vm7, $0xFF800000, v63;
	vm7 =	veq.s32 v29, v7;
	v33 =	vmax.f32 v30, v31  }
0x87: {  	v12 =	vsel vm7, $0xFF800000, v18;
	v9 =	vmax.f32 v33, v32  }
0x88: {  	v9 =	vmax.f32 v9, v12  }
0x89: {  	(xrf0) =	vmax.scan.msk.f32 $0xffff, v9;
	_ =	sdelay $0x5  }
0x8a: {  	v34 =	vld [tilespmem:s13+$0x0];
	v9, _, _ =	vpop (xrf0)  }
0x8b: {  	v35 =	vld [tilespmem:s13+$0x10];
	v9 =	vbroadcast v9, $0xF  }
0x8c: {  	v36 =	vld [tilespmem:s13+$0x20]  }
0x8d: {  	v37 =	vld [tilespmem:s13+$0x30];
	vm7 =	veq.f32 v12, v9  }
0x8e: {  	vm8 =	veq.f32 v32, v9;
	v38 =	vnsel vm7, $0x80000040, v1  }
0x8f: {  	vm7 =	veq.f32 v31, v9;
	v39 =	vsel vm8, v2, v38  }
0x90: {  	v41 =	vmax.f32 v34, v35;
	vm8 =	veq.f32 v30, v9;
	v40 =	vsel vm7, v3, v39  }
0x91: {  	v10 =	vmax.f32 v41, v36;
	v9 =	vsel vm8, v4, v40  }
0x92: {  	v42 =	vmax.f32 v10, v37;
	(xrf0) =	vmin.scan.msk.u32 $0xffff, v9  }
0x93: {  	(xrf0) =	vmax.scan.msk.f32 $0xffff, v42;
	_ =	sdelay $0x4  }
0x94: {  	v43, _, _ =	vpop (xrf0)  }
0x95: {  	v44, _, _ =	vpop (xrf0)  }
0x96: {  	v10 =	vbroadcast v44, $0xF;
	_ =	sdelay $0x1  }
0x97: {  	vm7 =	veq.f32 v37, v10  }
0x98: {  	vm8 =	veq.f32 v36, v10;
	v45 =	vnsel vm7, $0x80000040, v1  }
0x99: {  	vm7 =	veq.f32 v35, v10;
	v11 =	vsel vm8, v2, v45  }
0x9a: {  	vm8 =	veq.f32 v34, v10;
	v46 =	vsel vm7, v3, v11  }
0x9b: {  	v10 =	vsel vm8, v4, v46  }
0x9c: {  	(xrf0) =	vmin.scan.msk.u32 $0xffff, v10;
	_ =	sdelay $0x5  }
0x9d: {  	(v2sf) =	vpush v43, $0xF;
	v47, _, _ =	vpop (xrf0)  }
0x9e: {  	(v2sf) =	vpush v47, $0xF;
	_ =	sdelay $0xd  }
0x9f: {  	s21 =	spop (v2sf)  }
0xa0: {  	s20 =	spop (v2sf)  }
0xa1: {  	s20 =	sxor.u32 $0x80000000, s20  }
0xa2: {  	v48 =	vmov s20  }
0xa3: {  	vm7 =	veq.s32 v48, v0;
	vm8 =	veq.s32 v48, v5  }
0xa4: {  	v49 =	vsel vm7, $0xFF800000, v34;
	v50 =	vsel vm8, $0xFF800000, v35;
	vm7 =	veq.s32 v48, v6  }
0xa5: {  	v51 =	vsel vm7, $0xFF800000, v36;
	vm7 =	veq.s32 v48, v7;
	v52 =	vmax.f32 v49, v50  }
0xa6: {  	v12 =	vsel vm7, $0xFF800000, v37;
	v9 =	vmax.f32 v52, v51  }
0xa7: {  	v9 =	vmax.f32 v9, v12  }
0xa8: {  	(xrf0) =	vmax.scan.msk.f32 $0xffff, v9;
	_ =	sdelay $0x5  }
0xa9: {  	v53 =	vld [tilespmem:s13+$0x80];
	v9, _, _ =	vpop (xrf0)  }
0xaa: {  	v54 =	vld [tilespmem:s13+$0x90];
	v9 =	vbroadcast v9, $0xF  }
0xab: {  	v55 =	vld [tilespmem:s13+$0xA0]  }
0xac: {  	v56 =	vld [tilespmem:s13+$0xB0];
	vm7 =	veq.f32 v12, v9  }
0xad: {  	vm8 =	veq.f32 v51, v9;
	v57 =	vnsel vm7, $0x80000040, v1  }
0xae: {  	vm7 =	veq.f32 v50, v9;
	v58 =	vsel vm8, v2, v57  }
0xaf: {  	v60 =	vmax.f32 v53, v54;
	vm8 =	veq.f32 v49, v9;
	v59 =	vsel vm7, v3, v58  }
0xb0: {  	v10 =	vmax.f32 v60, v55;
	v9 =	vsel vm8, v4, v59  }
0xb1: {  	v61 =	vmax.f32 v10, v56;
	(xrf0) =	vmin.scan.msk.u32 $0xffff, v9  }
0xb2: {  	(xrf0) =	vmax.scan.msk.f32 $0xffff, v61;
	_ =	sdelay $0x4  }
0xb3: {  	v62, _, _ =	vpop (xrf0)  }
0xb4: {  	v63, _, _ =	vpop (xrf0)  }
0xb5: {  	v10 =	vbroadcast v63, $0xF;
	_ =	sdelay $0x1  }
0xb6: {  	vm7 =	veq.f32 v56, v10  }
0xb7: {  	vm8 =	veq.f32 v55, v10;
	v13 =	vnsel vm7, $0x80000040, v1  }
0xb8: {  	vm7 =	veq.f32 v54, v10;
	v11 =	vsel vm8, v2, v13  }
0xb9: {  	vm8 =	veq.f32 v53, v10;
	v17 =	vsel vm7, v3, v11  }
0xba: {  	v10 =	vsel vm8, v4, v17  }
0xbb: {  	(xrf0) =	vmin.scan.msk.u32 $0xffff, v10;
	_ =	sdelay $0x5  }
0xbc: {  	(v2sf) =	vpush v62, $0xF;
	v18, _, _ =	vpop (xrf0)  }
0xbd: {  	(v2sf) =	vpush v18, $0xF;
	_ =	sdelay $0xd  }
0xbe: {  	s23 =	spop (v2sf)  }
0xbf: {  	s22 =	spop (v2sf)  }
0xc0: {  	s22 =	sxor.u32 $0x80000000, s22  }
0xc1: {  	v19 =	vmov s22  }
0xc2: {  	vm7 =	veq.s32 v19, v0;
	vm8 =	veq.s32 v19, v5  }
0xc3: {  	v20 =	vsel vm7, $0xFF800000, v53;
	v21 =	vsel vm8, $0xFF800000, v54;
	vm7 =	veq.s32 v19, v6  }
0xc4: {  	v22 =	vsel vm7, $0xFF800000, v55;
	vm7 =	veq.s32 v19, v7;
	v23 =	vmax.f32 v20, v21  }
0xc5: {  	v12 =	vsel vm7, $0xFF800000, v56;
	v9 =	vmax.f32 v23, v22  }
0xc6: {  	v9 =	vmax.f32 v9, v12  }
0xc7: {  	(xrf0) =	vmax.scan.msk.f32 $0xffff, v9;
	_ =	sdelay $0x5  }
0xc8: {  	v24 =	vld [tilespmem:s13+$0x100];
	v9, _, _ =	vpop (xrf0)  }
0xc9: {  	v25 =	vld [tilespmem:s13+$0x110];
	v9 =	vbroadcast v9, $0xF  }
0xca: {  	v26 =	vld [tilespmem:s13+$0x120]  }
0xcb: {  	v27 =	vld [tilespmem:s13+$0x130];
	vm7 =	veq.f32 v12, v9  }
0xcc: {  	vm8 =	veq.f32 v22, v9;
	v28 =	vnsel vm7, $0x80000040, v1  }
0xcd: {  	vm7 =	veq.f32 v21, v9;
	v29 =	vsel vm8, v2, v28  }
0xce: {  	v31 =	vmax.f32 v24, v25;
	vm8 =	veq.f32 v20, v9;
	v30 =	vsel vm7, v3, v29  }
0xcf: {  	v10 =	vmax.f32 v31, v26;
	v9 =	vsel vm8, v4, v30  }
0xd0: {  	v32 =	vmax.f32 v10, v27;
	(xrf0) =	vmin.scan.msk.u32 $0xffff, v9  }
0xd1: {  	(xrf0) =	vmax.scan.msk.f32 $0xffff, v32;
	_ =	sdelay $0x4  }
0xd2: {  	v33, _, _ =	vpop (xrf0)  }
0xd3: {  	v34, _, _ =	vpop (xrf0)  }
0xd4: {  	v10 =	vbroadcast v34, $0xF;
	_ =	sdelay $0x1  }
0xd5: {  	vm7 =	veq.f32 v27, v10  }
0xd6: {  	vm8 =	veq.f32 v26, v10;
	v35 =	vnsel vm7, $0x80000040, v1  }
0xd7: {  	vm7 =	veq.f32 v25, v10;
	v11 =	vsel vm8, v2, v35  }
0xd8: {  	vm8 =	veq.f32 v24, v10;
	v36 =	vsel vm7, v3, v11  }
0xd9: {  	v10 =	vsel vm8, v4, v36  }
0xda: {  	(xrf0) =	vmin.scan.msk.u32 $0xffff, v10;
	_ =	sdelay $0x5  }
0xdb: {  	(v2sf) =	vpush v33, $0xF;
	v37, _, _ =	vpop (xrf0)  }
0xdc: {  	(v2sf) =	vpush v37, $0xF;
	_ =	sdelay $0xd  }
0xdd: {  	s25 =	spop (v2sf)  }
0xde: {  	s24 =	spop (v2sf)  }
0xdf: {  	s24 =	sxor.u32 $0x80000000, s24  }
0xe0: {  	v38 =	vmov s24  }
0xe1: {  	vm7 =	veq.s32 v38, v0;
	vm8 =	veq.s32 v38, v5  }
0xe2: {  	v39 =	vsel vm7, $0xFF800000, v24;
	v40 =	vsel vm8, $0xFF800000, v25;
	vm7 =	veq.s32 v38, v6  }
0xe3: {  	v41 =	vsel vm7, $0xFF800000, v26;
	vm7 =	veq.s32 v38, v7;
	v42 =	vmax.f32 v39, v40  }
0xe4: {  	v12 =	vsel vm7, $0xFF800000, v27;
	v9 =	vmax.f32 v42, v41  }
0xe5: {  	v9 =	vmax.f32 v9, v12  }
0xe6: {  	(xrf0) =	vmax.scan.msk.f32 $0xffff, v9;
	_ =	sdelay $0x5  }
0xe7: {  	v43 =	vld [tilespmem:s13+$0x180];
	v9, _, _ =	vpop (xrf0)  }
0xe8: {  	v44 =	vld [tilespmem:s13+$0x190];
	v9 =	vbroadcast v9, $0xF  }
0xe9: {  	v45 =	vld [tilespmem:s13+$0x1A0]  }
0xea: {  	v46 =	vld [tilespmem:s13+$0x1B0];
	vm7 =	veq.f32 v12, v9  }
0xeb: {  	vm8 =	veq.f32 v41, v9;
	v47 =	vnsel vm7, $0x80000040, v1  }
0xec: {  	vm7 =	veq.f32 v40, v9;
	v48 =	vsel vm8, v2, v47  }
0xed: {  	v50 =	vmax.f32 v43, v44;
	vm8 =	veq.f32 v39, v9;
	v49 =	vsel vm7, v3, v48  }
0xee: {  	v10 =	vmax.f32 v50, v45;
	v9 =	vsel vm8, v4, v49  }
0xef: {  	v51 =	vmax.f32 v10, v46;
	(xrf0) =	vmin.scan.msk.u32 $0xffff, v9  }
0xf0: {  	(xrf0) =	vmax.scan.msk.f32 $0xffff, v51;
	_ =	sdelay $0x4  }
0xf1: {  	v52, _, _ =	vpop (xrf0)  }
0xf2: {  	v53, _, _ =	vpop (xrf0)  }
0xf3: {  	v10 =	vbroadcast v53, $0xF;
	_ =	sdelay $0x1  }
0xf4: {  	vm7 =	veq.f32 v46, v10  }
0xf5: {  	vm8 =	veq.f32 v45, v10;
	v54 =	vnsel vm7, $0x80000040, v1  }
0xf6: {  	vm7 =	veq.f32 v44, v10;
	v11 =	vsel vm8, v2, v54  }
0xf7: {  	vm8 =	veq.f32 v43, v10;
	v55 =	vsel vm7, v3, v11  }
0xf8: {  	v10 =	vsel vm8, v4, v55  }
0xf9: {  	(xrf0) =	vmin.scan.msk.u32 $0xffff, v10;
	_ =	sdelay $0x5  }
0xfa: {  	(v2sf) =	vpush v52, $0xF;
	v56, _, _ =	vpop (xrf0)  }
0xfb: {  	(v2sf) =	vpush v56, $0xF;
	_ =	sdelay $0xd  }
0xfc: {  	s26 =	spop (v2sf)  }
0xfd: {  	s28 =	spop (v2sf)  }
0xfe: {  	s28 =	sxor.u32 $0x80000000, s28  }
0xff: {  	v57 =	vmov s28  }
0x100: {  	vm7 =	veq.s32 v57, v0;
	vm8 =	veq.s32 v57, v5  }
0x101: {  	v58 =	vsel vm7, $0xFF800000, v43;
	v59 =	vsel vm8, $0xFF800000, v44;
	vm7 =	veq.s32 v57, v6  }
0x102: {  	v60 =	vsel vm7, $0xFF800000, v45;
	vm7 =	veq.s32 v57, v7;
	v61 =	vmax.f32 v58, v59  }
0x103: {  	v12 =	vsel vm7, $0xFF800000, v46;
	v9 =	vmax.f32 v61, v60  }
0x104: {  	v9 =	vmax.f32 v9, v12  }
0x105: {  	(xrf0) =	vmax.scan.msk.f32 $0xffff, v9;
	_ =	sdelay $0x5  }
0x106: {  	v9, _, _ =	vpop (xrf0)  }
0x107: {  	v9 =	vbroadcast v9, $0xF;
	_ =	sdelay $0x1  }
0x108: {  	vm7 =	veq.f32 v12, v9  }
0x109: {  	vm8 =	veq.f32 v60, v9;
	v12 =	vnsel vm7, $0x80000040, v1  }
0x10a: {  	vm7 =	veq.f32 v59, v9;
	v62 =	vsel vm8, v2, v12  }
0x10b: {  	vm8 =	veq.f32 v58, v9;
	v63 =	vsel vm7, v3, v62  }
0x10c: {  	v9 =	vsel vm8, v4, v63  }
0x10d: {  	(xrf0) =	vmin.scan.msk.u32 $0xffff, v9;
	_ =	sdelay $0x5  }
0x10e: {  	v9, _, _ =	vpop (xrf0)  }
0x10f: {  	(v2sf) =	vpush v9, $0xF;
	_ =	sdelay $0x1  }
0x110: {  	s15 =	sxor.u32 $0x80000000, s15;
	vm7 =	veq.s32 v0, $0x1  }
0x111: {  	v8 =	vsel vm7, s15, v8  }
0x112: {  	s17 =	sxor.u32 $0x80000000, s17;
	vm7 =	veq.s32 v0, $0x3;
	v8 =	vsel vm0, s14, v8  }
0x113: {  	v8 =	vsel vm7, s17, v8  }
0x114: {  	s19 =	sxor.u32 $0x80000000, s19;
	vm7 =	veq.s32 v0, $0x5;
	v8 =	vsel vm1, s16, v8  }
0x115: {  	v8 =	vsel vm7, s19, v8  }
0x116: {  	s21 =	sxor.u32 $0x80000000, s21;
	vm7 =	veq.s32 v0, $0x7;
	v8 =	vsel vm2, s18, v8  }
0x117: {  	v8 =	vsel vm7, s21, v8  }
0x118: {  	s23 =	sxor.u32 $0x80000000, s23;
	vm7 =	veq.s32 v0, $0x9;
	v8 =	vsel vm3, s20, v8  }
0x119: {  	v8 =	vsel vm7, s23, v8  }
0x11a: {  	s25 =	sxor.u32 $0x80000000, s25;
	vm7 =	veq.s32 v0, $0xB;
	v8 =	vsel vm4, s22, v8  }
0x11b: {  	p0 =	sne.s32 s12, $0x7C0;
	v8 =	vsel vm7, s25, v8  }
.Ltmp0:
0x11c: {  	s29 =	sxor.u32 $0x80000000, s26;
	vm7 =	veq.s32 v0, $0xD;
	v8 =	vsel vm5, s24, v8;
	(pc) =	sbr.rel @p0 .LBB2_3-.Ltmp0, $4  }
0x11d: {  	v8 =	vsel vm7, s29, v8;
	s30 =	spop (v2sf)  }
0x11e: {  	vm7 =	veq.s32 v0, $0xF;
	v8 =	vsel vm6, s28, v8;
	s14 =	sxor.u32 $0x80000000, s30  }
0x11f: {  	s31 =	sshra.s32 s12, $0x2;
	v8 =	vsel vm7, s14, v8  }
0x120: {  	s12 =	sadd.s32 $0x40, s12;
	s13 =	sadd.s32 $0x400, s13;
	[tilespmem:s31+$0x8000] =	vst v8  }
0x121: {  	s10 =	sadd.s32 $0x1, s10  }
0x122: {  	s11 =	sshrl.u32 s11, $0x2;
	p0 =	sne.s32 s10, $0x4  }
.Ltmp1:
0x123: {  	s11 =	sadd.s32 s1, s11;
	(pc) =	sbr.rel @p0 .LBB2_2-.Ltmp1, $4  }
0x124: {  	[hbm4b:s11+s2] =	stream.linear.scatter [tilespmem:s8], [sflag:$0x1], $0x200, $0x38;
	[tilespmem:$0x8200] =	vst v63  }
0x125: {  	_ =	swait.ge [sflag:s7], $0x200  }
0x126: {  	[sflag:s7] =	ssyncset.done $0x0  }
0x127: {  	[sflag:s7] =	ssyncadd.s32 $0xFFFFFE00  }
0x128: {  	s9 =	sadd.s32 $0x1, s9  }
0x129: {  	p0 =	sne.s32 s9, s6  }
.Ltmp2:
0x12a: {  	_ = 	snop;
	(pc) =	sbr.rel @p0 .LBB2_1-.Ltmp2, $1  }
0x12b: {  	_ =	sdelay $0x3  }
0x12c: {  	_ =	sfence.sel $0x180000  }
0x12d: {  	[bflag:$0x0] =	sbarrier.arrive $0xFFFF  }
0x12e: {  	p0 =	sne.s32 s3, $0x0;
	_ =	strace $0x90000047  }
0x12f: {  	s0 =	sadd.s32 @!p0 $0x100000, s0;
	[bflag:$0x2] =	sbarrier.arrive $0xFFFF  }
0x130: {  	[sflag:s0] =	ssyncadd.tile.s32 @!p0 $0x1;
	_ =	shalt  }
.Lfunc_end2:
_tile_overlayer_lowered:
.L_overlay_start_2:
0x131: {  	(tag) =	ssettag $0x2  }
0x132: {  	s0 =	rddreg [dreg:$0x0];
	s2 =	stileid.u32  }
0x133: {  	s1 =	rddreg [dreg:$0x1];
	p0 =	sne.s32 s2, $0x0  }
0x134: {  	s3 =	rddreg [dreg:$0x2];
	[bflag:$0x3] =	sbarrier.arrive $0xFFFF;
	s2 =	simm.s32 @!p0 $0x1C01  }
0x135: {  	[timem:s3], [sflag:s2] =	dma.local @!p0 [hbm:s0], s1  }
0x136: {  	s0 =	simm.s32 @!p0 $0x1  }
0x137: {  	_ =	swait.ge @!p0 [sflag:s0], s1  }
0x138: {  	s1 =	ssub.s32 @!p0 $0x0, s1;
	[sflag:s0] =	ssyncset.done @!p0 $0x0  }
0x139: {  	[sflag:s0] =	ssyncadd.s32 @!p0 s1  }
0x13a: {  	[bflag:$0x3] =	sbarrier.arrive $0xFFFF  }
0x13b: {  	_ =	shalt  }

</sc_bundles>
